<compile_context>
chip_gen: v7x
topology: tpu7x:2x2x1
jax: 0.10.2.dev20260603
libtpu: 0.0.44.dev20260713+nightly
codegen_flags: <defaults>
</compile_context>

<pallas_src>
import functools

import jax
import jax.numpy as jnp
from jax import lax
from jax.experimental import pallas as pl
from jax.experimental.pallas import tpu as pltpu
from jax.experimental.pallas import tpu_sc as plsc

B, C, H, W = 16, 8, 512, 512
HW = H * W
N = 64
NC, NS, L = 2, 16, 16
NW = NC * NS
TPW = (B * N) // NW
NBUF = 4
TCB = 2


def _tc_softplus_sum(preds):

    NSTR = 4
    steps = B // NSTR

    def body(*refs):
        p_refs, o_ref, acc_ref = refs[:NSTR], refs[NSTR], refs[NSTR + 1]

        @pl.when(pl.program_id(0) == 0)
        def _():
            acc_ref[...] = jnp.zeros_like(acc_ref)

        acc = acc_ref[...]
        for p_ref in p_refs:
            x = p_ref[...]
            sp = jnp.maximum(x, 0.0) + jnp.log1p(jnp.exp(-jnp.abs(x)))
            acc = acc + jnp.sum(sp.reshape(H // 8, 8, W), axis=0)
        acc_ref[...] = acc

        @pl.when(pl.program_id(0) == steps - 1)
        def _():
            o_ref[0, 0] = jnp.sum(acc)

    return pl.pallas_call(
        body,
        grid=(steps,),
        in_specs=[
            pl.BlockSpec((1, 1, H, W),
                         lambda i, s=s: (s * steps + i, 0, 0, 0))
            for s in range(NSTR)
        ],
        out_specs=pl.BlockSpec(memory_space=pltpu.SMEM),
        out_shape=jax.ShapeDtypeStruct((1, 1), jnp.float32),
        scratch_shapes=[pltpu.VMEM((8, W), jnp.float32)],
    )(*([preds] * NSTR))


def _sc_sparse_partials(preds_rows, tgt_rows):
    mesh = plsc.VectorSubcoreMesh(
        core_axis_name="c", subcore_axis_name="s",
        num_cores=NC, num_subcores=NS)

    @functools.partial(
        pl.kernel,
        out_type=jax.ShapeDtypeStruct((NW, L), jnp.float32),
        mesh=mesh,
        scratch_types=[
            pltpu.VMEM((N, 7), jnp.int32),
            pltpu.VMEM((N,), jnp.int32),
            pltpu.VMEM((NBUF, TPW), jnp.int32),
            pltpu.VMEM((NBUF, TPW, W), jnp.float32),
            pltpu.VMEM((L,), jnp.float32),
        ] + [pltpu.SemaphoreType.DMA] * NBUF,
        compiler_params=pltpu.CompilerParams(
            needs_layout_passes=False, use_tc_tiling_on_sc=True),
    )
    def k(preds_hbm, tgt_hbm, out_hbm, tvals, flr, ridx, rows, part, *sems):
        wid = lax.axis_index("s") * NC + lax.axis_index("c")
        b = wid // 2
        half = wid % 2

        pltpu.sync_copy(tgt_hbm.at[pl.ds(b * N, N)], tvals)

        lane = lax.iota(jnp.int32, L)
        zero = jnp.zeros((L,), jnp.int32)
        scale = jnp.float32(W / 80.0)
        for k4 in range(4):
            n16 = lane + (L * k4)
            t0 = plsc.load_gather(tvals, [n16, zero])
            t1 = plsc.load_gather(tvals, [n16, zero + 1])
            gx = jnp.clip(t0.astype(jnp.float32) * scale,
                          0.0, float(W - 1)).astype(jnp.int32)
            gy = jnp.clip(t1.astype(jnp.float32) * scale,
                          0.0, float(H - 1)).astype(jnp.int32)
            flr[pl.ds(L * k4, L)] = gy * W + gx

        nA = half * TPW + lane
        nB = nA + L
        flA = plsc.load_gather(flr, [nA])
        flB = plsc.load_gather(flr, [nB])
        gyA, gxA = lax.shift_right_logical(flA, 9), flA & (W - 1)
        gyB, gxB = lax.shift_right_logical(flB, 9), flB & (W - 1)

        rowbase = b * (C * H)
        handles = [None] * NBUF

        def fill_issue(c):
            buf = c % NBUF
            ridx[buf, pl.ds(0, L)] = rowbase + c * H + gyA
            ridx[buf, pl.ds(L, L)] = rowbase + c * H + gyB
            handles[buf] = pltpu.async_copy(
                preds_hbm.at[ridx.at[buf]], rows.at[buf], sems[buf])

        for c in range(NBUF):
            fill_issue(c)

        def dedup_body(j, carry):
            kA, kB = carry
            fj = plsc.load_gather(flr, [jnp.broadcast_to(j, (L,))])
            kA = jnp.where((flA == fj) & (nA < j), 0, kA)
            kB = jnp.where((flB == fj) & (nB < j), 0, kB)
            return kA, kB

        keepA, keepB = lax.fori_loop(
            0, N, dedup_body,
            (jnp.ones((L,), jnp.int32), jnp.ones((L,), jnp.int32)))
        kfA = keepA.astype(jnp.float32)
        kfB = keepB.astype(jnp.float32)

        acc_x = jnp.zeros((L,), jnp.float32)
        acc_s = jnp.zeros((L,), jnp.float32)
        for c in range(C):
            buf = c % NBUF
            handles[buf].wait()
            vA = plsc.load_gather(rows.at[buf], [lane, gxA])
            vB = plsc.load_gather(rows.at[buf], [lane + L, gxB])
            if c == 0:
                acc_x = kfA * vA + kfB * vB
            else:
                tA = plsc.load_gather(
                    tvals, [nA, zero + (c - 1)]).astype(jnp.float32)
                tB = plsc.load_gather(
                    tvals, [nB, zero + (c - 1)]).astype(jnp.float32)
                dA = vA - tA
                dB = vB - tB
                adA = jnp.abs(dA)
                adB = jnp.abs(dB)
                acc_s = acc_s + kfA * jnp.where(
                    adA < 1.0, 0.5 * dA * dA, adA - 0.5)
                acc_s = acc_s + kfB * jnp.where(
                    adB < 1.0, 0.5 * dB * dB, adB - 0.5)
            if c + NBUF < C:
                fill_issue(c + NBUF)
        sx = jnp.sum(acc_x)
        ss = jnp.sum(acc_s)
        sn = jnp.sum(kfA + kfB)
        part[...] = jnp.where(
            lane == 0, sx,
            jnp.where(lane == 1, ss,
                      jnp.where(lane == 2, sn, jnp.float32(0.0))))
        pltpu.sync_copy(part, out_hbm.at[wid])

    return k(preds_rows, tgt_rows)


def kernel(preds, targets_list):
    parts = _sc_sparse_partials(
        preds.reshape(B * C * H, W), targets_list.reshape(B * N, 7))
    sp_sum = _tc_softplus_sum(preds)[0, 0]
    sums = jnp.sum(parts, axis=0)
    num_objects = sums[2]
    cls_loss = (sp_sum - sums[0]) / jnp.float32(B * HW)
    reg_loss = sums[1] / (num_objects + 1e-06)
    total_loss = cls_loss + 2.0 * reg_loss
    return (total_loss, num_objects)

# --- scband reference (transcript-rebuilt; emitter-appended) ---
"""Pipeline reference for scband-detection-loss-29283087024789 (READ-ONLY COPY).

The authoritative reference and input builder live on the scoring server;
editing this copy changes nothing except your own understanding.
"""

import jax, jax.numpy as jnp
import numpy as np

B, N, H, W = 16, 64, 512, 512

def setup_inputs(seed: int = 0) -> dict:
    key = jax.random.key(seed)
    k1, k2 = jax.random.split(key)
    preds = jax.random.normal(k1, (B, 8, H, W), dtype=jnp.float32)
    targets_list = jax.random.randint(k2, (B, N, 7), 0, 80, dtype=jnp.int32)
    return {"preds": preds, "targets_list": targets_list}

def reference(preds, targets_list):
    Bv, C, Hv, Wv = preds.shape
    Nt = targets_list.shape[1]
    cls_preds = preds[:, 0, :, :]
    reg_preds = preds[:, 1:, :, :]
    tf = targets_list.astype(jnp.float32)
    # torch: int(clamp(t * (W/80), 0, W-1)) -> clip then truncate (floor for nonneg)
    gx = jnp.clip(tf[:, :, 0] * (Wv / 80.0), 0, Wv - 1).astype(jnp.int32)
    gy = jnp.clip(tf[:, :, 1] * (Hv / 80.0), 0, Hv - 1).astype(jnp.int32)
    flat = gy * Wv + gx  # [B, N]
    order = jnp.arange(Nt, dtype=jnp.int32)
    HW = Hv * Wv
    def build(flat_b, vals_b):
        # last-write-wins dedup to match sequential torch loop semantics
        best = jnp.full((HW,), -1, jnp.int32).at[flat_b].max(order)
        keep = order == best[flat_b]
        safe = jnp.where(keep, flat_b, HW)  # losers routed out-of-bounds and dropped
        tmap = jnp.zeros((HW, 7), jnp.float32).at[safe].set(vals_b, mode='drop')
        m = jnp.zeros((HW,), jnp.float32).at[safe].set(1.0, mode='drop')
        return tmap, m
    tmap_flat, mask_flat = jax.vmap(build)(flat, tf)
    target_map = tmap_flat.reshape(Bv, Hv, Wv, 7).transpose(0, 3, 1, 2)
    mask = mask_flat.reshape(Bv, Hv, Wv)
    # BCEWithLogitsLoss(reduction='mean'), numerically stable
    x = cls_preds
    z = mask
    bce = jnp.maximum(x, 0.0) - x * z + jnp.log1p(jnp.exp(-jnp.abs(x)))
    cls_loss = jnp.mean(bce)
    num_objects = mask.sum()
    # SmoothL1 (beta=1), reduction='none'
    d = reg_preds - target_map
    ad = jnp.abs(d)
    sl1 = jnp.where(ad < 1.0, 0.5 * d * d, ad - 0.5)
    reg_mask = jnp.broadcast_to(mask[:, None, :, :], reg_preds.shape)
    reg_loss = (sl1 * reg_mask).sum() / (num_objects + 1e-06)
    total_loss = cls_loss + 2.0 * reg_loss
    return (total_loss, num_objects)

if __name__ == "__main__":
    import jax
    _d = setup_inputs()
    print(jax.jit(kernel)(*tuple(_d.values())))

</pallas_src>

<mosaic_0001>
#map = affine_map<(d0, d1) -> (0, 0)>
module attributes {stable_mosaic.version = 14 : i64} {
  func.func @k(%arg0: i32, %arg1: i32, %arg2: memref<65536x512xf32, #tpu.memory_space<hbm>>, %arg3: memref<1024x7xi32, #tpu.memory_space<hbm>>, %arg4: memref<32x16xf32, #tpu.memory_space<hbm>>, %arg5: memref<64x7xi32, #tpu.memory_space<vmem>>, %arg6: memref<64xi32, #tpu.memory_space<vmem>>, %arg7: memref<4x32xi32, #tpu.memory_space<vmem>>, %arg8: memref<4x32x512xf32, #tpu.memory_space<vmem>>, %arg9: memref<16xf32, #tpu.memory_space<vmem>>, %arg10: memref<!tpu.dma_semaphore, #tpu.memory_space<semaphore_mem>>, %arg11: memref<!tpu.dma_semaphore, #tpu.memory_space<semaphore_mem>>, %arg12: memref<!tpu.dma_semaphore, #tpu.memory_space<semaphore_mem>>, %arg13: memref<!tpu.dma_semaphore, #tpu.memory_space<semaphore_mem>>) attributes {dimension_semantics = [#tpu.dimension_semantics<core_parallel>, #tpu.dimension_semantics<subcore_parallel>], iteration_bounds = array<i64: 2, 16>, scalar_prefetch = 0 : i64, scratch_operands = 9 : i64, tpu.core_type = #tpu.core_type<sc_vector_subcore>, window_params = [{transform_indices = #map}, {transform_indices = #map}, {transform_indices = #map}]} {
    %mul3A = arith.constant 2 : i32
    %mul3A_0 = arith.muli %arg1, %mul3A : i32
    %add3A = arith.addi %mul3A_0, %arg0 : i32
    %jit3A = arith.constant 2 : i32
    %div3A = arith.divsi %add3A, %jit3A : i32
    %sign3A = arith.constant 0 : i32
    %sign3A_1 = arith.cmpi sgt, %add3A, %sign3A : i32
    %sign3A_2 = arith.extui %sign3A_1 : i1 to i32
    %sign3A_3 = arith.constant 0 : i32
    %sign3A_4 = arith.cmpi slt, %add3A, %sign3A_3 : i32
    %sign3A_5 = arith.extui %sign3A_4 : i1 to i32
    %sign3A_6 = arith.subi %sign3A_2, %sign3A_5 : i32
    %sign3A_7 = arith.constant 0 : i32
    %sign3A_8 = arith.cmpi sgt, %jit3A, %sign3A_7 : i32
    %sign3A_9 = arith.extui %sign3A_8 : i1 to i32
    %sign3A_10 = arith.constant 0 : i32
    %sign3A_11 = arith.cmpi slt, %jit3A, %sign3A_10 : i32
    %sign3A_12 = arith.extui %sign3A_11 : i1 to i32
    %sign3A_13 = arith.subi %sign3A_9, %sign3A_12 : i32
    %ne3A = arith.cmpi ne, %sign3A_6, %sign3A_13 : i32
    %rem3A = arith.remsi %add3A, %jit3A : i32
    %ne3A_14 = arith.constant 0 : i32
    %ne3A_15 = arith.cmpi ne, %rem3A, %ne3A_14 : i32
    %and3A = arith.andi %ne3A, %ne3A_15 : i1
    %sub3A = arith.constant 1 : i32
    %sub3A_16 = arith.subi %div3A, %sub3A : i32
    %select_n3A = arith.select %and3A, %sub3A_16, %div3A : i32
    %jit3A_17 = arith.constant 2 : i32
    %eq3A = arith.constant 0 : i32
    %eq3A_18 = arith.cmpi eq, %jit3A_17, %eq3A : i32
    %jit3A_19 = arith.constant 1 : i32
    %select_n3A_20 = arith.select %eq3A_18, %jit3A_19, %jit3A_17 : i32
    %rem3A_21 = arith.remsi %add3A, %select_n3A_20 : i32
    %ne3A_22 = arith.constant 0 : i32
    %ne3A_23 = arith.cmpi ne, %rem3A_21, %ne3A_22 : i32
    %lt3A = arith.constant 0 : i32
    %lt3A_24 = arith.cmpi slt, %rem3A_21, %lt3A : i32
    %lt3A_25 = arith.constant 0 : i32
    %lt3A_26 = arith.cmpi slt, %select_n3A_20, %lt3A_25 : i32
    %ne3A_27 = arith.xori %lt3A_24, %lt3A_26 : i1
    %and3A_28 = arith.andi %ne3A_27, %ne3A_23 : i1
    %add3A_29 = arith.addi %rem3A_21, %select_n3A_20 : i32
    %select_n3A_30 = arith.select %and3A_28, %add3A_29, %rem3A_21 : i32
    %mul3A_31 = arith.constant 64 : i32
    %mul3A_32 = arith.muli %select_n3A, %mul3A_31 : i32
    "tpu.region"() ({
      %run_scoped3A = tpu.sem_alloc : memref<!tpu.dma_semaphore, #tpu.memory_space<semaphore_mem>>
      %dma_start3A_961 = arith.constant 0 : i32
      %dma_start3A_962 = tpu.memref_slice %arg3[%mul3A_32, %dma_start3A_961] : memref<1024x7xi32, #tpu.memory_space<hbm>> -> memref<64x7xi32, #tpu.memory_space<hbm>>
      %dma_start3A_963 = arith.constant 0 : i32
      %dma_start3A_964 = tpu.memref_slice %arg3[%mul3A_32, %dma_start3A_963] : memref<1024x7xi32, #tpu.memory_space<hbm>> -> memref<64x7xi32, #tpu.memory_space<hbm>>
      tpu.enqueue_dma source(%dma_start3A_964 : memref<64x7xi32, #tpu.memory_space<hbm>>) target(%arg5 : memref<64x7xi32, #tpu.memory_space<vmem>>) target_semaphore(%run_scoped3A : memref<!tpu.dma_semaphore, #tpu.memory_space<semaphore_mem>>)
      %dma_wait3A_965 = arith.constant 0 : i32
      %dma_wait3A_966 = tpu.memref_slice %arg3[%mul3A_32, %dma_wait3A_965] : memref<1024x7xi32, #tpu.memory_space<hbm>> -> memref<64x7xi32, #tpu.memory_space<hbm>>
      %dma_wait3A_967 = arith.constant 0 : i32
      %dma_wait3A_968 = tpu.memref_slice %arg3[%mul3A_32, %dma_wait3A_967] : memref<1024x7xi32, #tpu.memory_space<hbm>> -> memref<64x7xi32, #tpu.memory_space<hbm>>
      tpu.wait_dma2 semaphore(%run_scoped3A : memref<!tpu.dma_semaphore, #tpu.memory_space<semaphore_mem>>) src(%dma_wait3A_968 : memref<64x7xi32, #tpu.memory_space<hbm>>) dst(%arg5 : memref<64x7xi32, #tpu.memory_space<vmem>>)
      tpu.yield
    }) : () -> ()
    %iota3A = tpu.iota {dimensions = array<i32: 0>} : vector<16xi32>
    %broadcast_in_dim3A = arith.constant 0 : i32
    %broadcast_in_dim3A_33 = vector.broadcast %broadcast_in_dim3A : i32 to vector<16xi32>
    %add3A_34 = arith.constant 0 : i32
    %add3A_35 = vector.broadcast %add3A_34 : i32 to vector<16xi32>
    %add3A_36 = arith.addi %iota3A, %add3A_35 : vector<16xi32>
    %gather3A = tpu.vector_load_idx %arg5[%add3A_36, %broadcast_in_dim3A_33] : memref<64x7xi32, #tpu.memory_space<vmem>>[vector<16xi32>, vector<16xi32>], vector<16xi32>,
    %add3A_37 = arith.constant 1 : i32
    %add3A_38 = vector.broadcast %add3A_37 : i32 to vector<16xi32>
    %add3A_39 = arith.addi %broadcast_in_dim3A_33, %add3A_38 : vector<16xi32>
    %gather3A_40 = tpu.vector_load_idx %arg5[%add3A_36, %add3A_39] : memref<64x7xi32, #tpu.memory_space<vmem>>[vector<16xi32>, vector<16xi32>], vector<16xi32>,
    %convert_element_type3A = arith.sitofp %gather3A : vector<16xi32> to vector<16xf32>
    %mul3A_41 = arith.constant 6.400000e+00 : f32
    %mul3A_42 = vector.broadcast %mul3A_41 : f32 to vector<16xf32>
    %mul3A_43 = arith.mulf %convert_element_type3A, %mul3A_42 : vector<16xf32>
    %jit3A_44 = arith.constant 0.000000e+00 : f32
    %jit3A_45 = arith.constant 5.110000e+02 : f32
    %max3A = vector.broadcast %jit3A_44 : f32 to vector<16xf32>
    %max3A_46 = arith.maximumf %max3A, %mul3A_43 : vector<16xf32>
    %min3A = vector.broadcast %jit3A_45 : f32 to vector<16xf32>
    %min3A_47 = arith.minimumf %min3A, %max3A_46 : vector<16xf32>
    %convert_element_type3A_48 = arith.fptosi %min3A_47 : vector<16xf32> to vector<16xi32>
    %convert_element_type3A_49 = arith.sitofp %gather3A_40 : vector<16xi32> to vector<16xf32>
    %mul3A_50 = arith.constant 6.400000e+00 : f32
    %mul3A_51 = vector.broadcast %mul3A_50 : f32 to vector<16xf32>
    %mul3A_52 = arith.mulf %convert_element_type3A_49, %mul3A_51 : vector<16xf32>
    %jit3A_53 = arith.constant 0.000000e+00 : f32
    %jit3A_54 = arith.constant 5.110000e+02 : f32
    %max3A_55 = vector.broadcast %jit3A_53 : f32 to vector<16xf32>
    %max3A_56 = arith.maximumf %max3A_55, %mul3A_52 : vector<16xf32>
    %min3A_57 = vector.broadcast %jit3A_54 : f32 to vector<16xf32>
    %min3A_58 = arith.minimumf %min3A_57, %max3A_56 : vector<16xf32>
    %convert_element_type3A_59 = arith.fptosi %min3A_58 : vector<16xf32> to vector<16xi32>
    %mul3A_60 = arith.constant 512 : i32
    %mul3A_61 = vector.broadcast %mul3A_60 : i32 to vector<16xi32>
    %mul3A_62 = arith.muli %convert_element_type3A_59, %mul3A_61 : vector<16xi32>
    %add3A_63 = arith.addi %mul3A_62, %convert_element_type3A_48 : vector<16xi32>
    %swap3A = arith.constant 0 : index
    %swap3A_64 = tpu.vector_load %arg6[%swap3A] {strides = array<i32>} : memref<64xi32, #tpu.memory_space<vmem>>, vector<16xi32>,
    tpu.vector_store %arg6[%swap3A], %add3A_63 {strides = array<i32>} : memref<64xi32, #tpu.memory_space<vmem>>, vector<16xi32>,
    %add3A_65 = arith.constant 16 : i32
    %add3A_66 = vector.broadcast %add3A_65 : i32 to vector<16xi32>
    %add3A_67 = arith.addi %iota3A, %add3A_66 : vector<16xi32>
    %gather3A_68 = tpu.vector_load_idx %arg5[%add3A_67, %broadcast_in_dim3A_33] : memref<64x7xi32, #tpu.memory_space<vmem>>[vector<16xi32>, vector<16xi32>], vector<16xi32>,
    %add3A_69 = arith.constant 1 : i32
    %add3A_70 = vector.broadcast %add3A_69 : i32 to vector<16xi32>
    %add3A_71 = arith.addi %broadcast_in_dim3A_33, %add3A_70 : vector<16xi32>
    %gather3A_72 = tpu.vector_load_idx %arg5[%add3A_67, %add3A_71] : memref<64x7xi32, #tpu.memory_space<vmem>>[vector<16xi32>, vector<16xi32>], vector<16xi32>,
    %convert_element_type3A_73 = arith.sitofp %gather3A_68 : vector<16xi32> to vector<16xf32>
    %mul3A_74 = arith.constant 6.400000e+00 : f32
    %mul3A_75 = vector.broadcast %mul3A_74 : f32 to vector<16xf32>
    %mul3A_76 = arith.mulf %convert_element_type3A_73, %mul3A_75 : vector<16xf32>
    %jit3A_77 = arith.constant 0.000000e+00 : f32
    %jit3A_78 = arith.constant 5.110000e+02 : f32
    %max3A_79 = vector.broadcast %jit3A_77 : f32 to vector<16xf32>
    %max3A_80 = arith.maximumf %max3A_79, %mul3A_76 : vector<16xf32>
    %min3A_81 = vector.broadcast %jit3A_78 : f32 to vector<16xf32>
    %min3A_82 = arith.minimumf %min3A_81, %max3A_80 : vector<16xf32>
    %convert_element_type3A_83 = arith.fptosi %min3A_82 : vector<16xf32> to vector<16xi32>
    %convert_element_type3A_84 = arith.sitofp %gather3A_72 : vector<16xi32> to vector<16xf32>
    %mul3A_85 = arith.constant 6.400000e+00 : f32
    %mul3A_86 = vector.broadcast %mul3A_85 : f32 to vector<16xf32>
    %mul3A_87 = arith.mulf %convert_element_type3A_84, %mul3A_86 : vector<16xf32>
    %jit3A_88 = arith.constant 0.000000e+00 : f32
    %jit3A_89 = arith.constant 5.110000e+02 : f32
    %max3A_90 = vector.broadcast %jit3A_88 : f32 to vector<16xf32>
    %max3A_91 = arith.maximumf %max3A_90, %mul3A_87 : vector<16xf32>
    %min3A_92 = vector.broadcast %jit3A_89 : f32 to vector<16xf32>
    %min3A_93 = arith.minimumf %min3A_92, %max3A_91 : vector<16xf32>
    %convert_element_type3A_94 = arith.fptosi %min3A_93 : vector<16xf32> to vector<16xi32>
    %mul3A_95 = arith.constant 512 : i32
    %mul3A_96 = vector.broadcast %mul3A_95 : i32 to vector<16xi32>
    %mul3A_97 = arith.muli %convert_element_type3A_94, %mul3A_96 : vector<16xi32>
    %add3A_98 = arith.addi %mul3A_97, %convert_element_type3A_83 : vector<16xi32>
    %swap3A_99 = arith.constant 16 : index
    %swap3A_100 = tpu.vector_load %arg6[%swap3A_99] {strides = array<i32>} : memref<64xi32, #tpu.memory_space<vmem>>, vector<16xi32>,
    tpu.vector_store %arg6[%swap3A_99], %add3A_98 {strides = array<i32>} : memref<64xi32, #tpu.memory_space<vmem>>, vector<16xi32>,
    %add3A_101 = arith.constant 32 : i32
    %add3A_102 = vector.broadcast %add3A_101 : i32 to vector<16xi32>
    %add3A_103 = arith.addi %iota3A, %add3A_102 : vector<16xi32>
    %gather3A_104 = tpu.vector_load_idx %arg5[%add3A_103, %broadcast_in_dim3A_33] : memref<64x7xi32, #tpu.memory_space<vmem>>[vector<16xi32>, vector<16xi32>], vector<16xi32>,
    %add3A_105 = arith.constant 1 : i32
    %add3A_106 = vector.broadcast %add3A_105 : i32 to vector<16xi32>
    %add3A_107 = arith.addi %broadcast_in_dim3A_33, %add3A_106 : vector<16xi32>
    %gather3A_108 = tpu.vector_load_idx %arg5[%add3A_103, %add3A_107] : memref<64x7xi32, #tpu.memory_space<vmem>>[vector<16xi32>, vector<16xi32>], vector<16xi32>,
    %convert_element_type3A_109 = arith.sitofp %gather3A_104 : vector<16xi32> to vector<16xf32>
    %mul3A_110 = arith.constant 6.400000e+00 : f32
    %mul3A_111 = vector.broadcast %mul3A_110 : f32 to vector<16xf32>
    %mul3A_112 = arith.mulf %convert_element_type3A_109, %mul3A_111 : vector<16xf32>
    %jit3A_113 = arith.constant 0.000000e+00 : f32
    %jit3A_114 = arith.constant 5.110000e+02 : f32
    %max3A_115 = vector.broadcast %jit3A_113 : f32 to vector<16xf32>
    %max3A_116 = arith.maximumf %max3A_115, %mul3A_112 : vector<16xf32>
    %min3A_117 = vector.broadcast %jit3A_114 : f32 to vector<16xf32>
    %min3A_118 = arith.minimumf %min3A_117, %max3A_116 : vector<16xf32>
    %convert_element_type3A_119 = arith.fptosi %min3A_118 : vector<16xf32> to vector<16xi32>
    %convert_element_type3A_120 = arith.sitofp %gather3A_108 : vector<16xi32> to vector<16xf32>
    %mul3A_121 = arith.constant 6.400000e+00 : f32
    %mul3A_122 = vector.broadcast %mul3A_121 : f32 to vector<16xf32>
    %mul3A_123 = arith.mulf %convert_element_type3A_120, %mul3A_122 : vector<16xf32>
    %jit3A_124 = arith.constant 0.000000e+00 : f32
    %jit3A_125 = arith.constant 5.110000e+02 : f32
    %max3A_126 = vector.broadcast %jit3A_124 : f32 to vector<16xf32>
    %max3A_127 = arith.maximumf %max3A_126, %mul3A_123 : vector<16xf32>
    %min3A_128 = vector.broadcast %jit3A_125 : f32 to vector<16xf32>
    %min3A_129 = arith.minimumf %min3A_128, %max3A_127 : vector<16xf32>
    %convert_element_type3A_130 = arith.fptosi %min3A_129 : vector<16xf32> to vector<16xi32>
    %mul3A_131 = arith.constant 512 : i32
    %mul3A_132 = vector.broadcast %mul3A_131 : i32 to vector<16xi32>
    %mul3A_133 = arith.muli %convert_element_type3A_130, %mul3A_132 : vector<16xi32>
    %add3A_134 = arith.addi %mul3A_133, %convert_element_type3A_119 : vector<16xi32>
    %swap3A_135 = arith.constant 32 : index
    %swap3A_136 = tpu.vector_load %arg6[%swap3A_135] {strides = array<i32>} : memref<64xi32, #tpu.memory_space<vmem>>, vector<16xi32>,
    tpu.vector_store %arg6[%swap3A_135], %add3A_134 {strides = array<i32>} : memref<64xi32, #tpu.memory_space<vmem>>, vector<16xi32>,
    %add3A_137 = arith.constant 48 : i32
    %add3A_138 = vector.broadcast %add3A_137 : i32 to vector<16xi32>
    %add3A_139 = arith.addi %iota3A, %add3A_138 : vector<16xi32>
    %gather3A_140 = tpu.vector_load_idx %arg5[%add3A_139, %broadcast_in_dim3A_33] : memref<64x7xi32, #tpu.memory_space<vmem>>[vector<16xi32>, vector<16xi32>], vector<16xi32>,
    %add3A_141 = arith.constant 1 : i32
    %add3A_142 = vector.broadcast %add3A_141 : i32 to vector<16xi32>
    %add3A_143 = arith.addi %broadcast_in_dim3A_33, %add3A_142 : vector<16xi32>
    %gather3A_144 = tpu.vector_load_idx %arg5[%add3A_139, %add3A_143] : memref<64x7xi32, #tpu.memory_space<vmem>>[vector<16xi32>, vector<16xi32>], vector<16xi32>,
    %convert_element_type3A_145 = arith.sitofp %gather3A_140 : vector<16xi32> to vector<16xf32>
    %mul3A_146 = arith.constant 6.400000e+00 : f32
    %mul3A_147 = vector.broadcast %mul3A_146 : f32 to vector<16xf32>
    %mul3A_148 = arith.mulf %convert_element_type3A_145, %mul3A_147 : vector<16xf32>
    %jit3A_149 = arith.constant 0.000000e+00 : f32
    %jit3A_150 = arith.constant 5.110000e+02 : f32
    %max3A_151 = vector.broadcast %jit3A_149 : f32 to vector<16xf32>
    %max3A_152 = arith.maximumf %max3A_151, %mul3A_148 : vector<16xf32>
    %min3A_153 = vector.broadcast %jit3A_150 : f32 to vector<16xf32>
    %min3A_154 = arith.minimumf %min3A_153, %max3A_152 : vector<16xf32>
    %convert_element_type3A_155 = arith.fptosi %min3A_154 : vector<16xf32> to vector<16xi32>
    %convert_element_type3A_156 = arith.sitofp %gather3A_144 : vector<16xi32> to vector<16xf32>
    %mul3A_157 = arith.constant 6.400000e+00 : f32
    %mul3A_158 = vector.broadcast %mul3A_157 : f32 to vector<16xf32>
    %mul3A_159 = arith.mulf %convert_element_type3A_156, %mul3A_158 : vector<16xf32>
    %jit3A_160 = arith.constant 0.000000e+00 : f32
    %jit3A_161 = arith.constant 5.110000e+02 : f32
    %max3A_162 = vector.broadcast %jit3A_160 : f32 to vector<16xf32>
    %max3A_163 = arith.maximumf %max3A_162, %mul3A_159 : vector<16xf32>
    %min3A_164 = vector.broadcast %jit3A_161 : f32 to vector<16xf32>
    %min3A_165 = arith.minimumf %min3A_164, %max3A_163 : vector<16xf32>
    %convert_element_type3A_166 = arith.fptosi %min3A_165 : vector<16xf32> to vector<16xi32>
    %mul3A_167 = arith.constant 512 : i32
    %mul3A_168 = vector.broadcast %mul3A_167 : i32 to vector<16xi32>
    %mul3A_169 = arith.muli %convert_element_type3A_166, %mul3A_168 : vector<16xi32>
    %add3A_170 = arith.addi %mul3A_169, %convert_element_type3A_155 : vector<16xi32>
    %swap3A_171 = arith.constant 48 : index
    %swap3A_172 = tpu.vector_load %arg6[%swap3A_171] {strides = array<i32>} : memref<64xi32, #tpu.memory_space<vmem>>, vector<16xi32>,
    tpu.vector_store %arg6[%swap3A_171], %add3A_170 {strides = array<i32>} : memref<64xi32, #tpu.memory_space<vmem>>, vector<16xi32>,
    %mul3A_173 = arith.constant 32 : i32
    %mul3A_174 = arith.muli %select_n3A_30, %mul3A_173 : i32
    %add3A_175 = vector.broadcast %mul3A_174 : i32 to vector<16xi32>
    %add3A_176 = arith.addi %add3A_175, %iota3A : vector<16xi32>
    %add3A_177 = arith.constant 16 : i32
    %add3A_178 = vector.broadcast %add3A_177 : i32 to vector<16xi32>
    %add3A_179 = arith.addi %add3A_176, %add3A_178 : vector<16xi32>
    %gather3A_180 = tpu.vector_load_idx %arg6[%add3A_176] : memref<64xi32, #tpu.memory_space<vmem>>[vector<16xi32>], vector<16xi32>,
    %gather3A_181 = tpu.vector_load_idx %arg6[%add3A_179] : memref<64xi32, #tpu.memory_space<vmem>>[vector<16xi32>], vector<16xi32>,
    %shift_right_logical3A = arith.constant 9 : i32
    %shift_right_logical3A_182 = vector.broadcast %shift_right_logical3A : i32 to vector<16xi32>
    %shift_right_logical3A_183 = arith.shrui %gather3A_180, %shift_right_logical3A_182 : vector<16xi32>
    %and3A_184 = arith.constant 511 : i32
    %and3A_185 = vector.broadcast %and3A_184 : i32 to vector<16xi32>
    %and3A_186 = arith.andi %gather3A_180, %and3A_185 : vector<16xi32>
    %shift_right_logical3A_187 = arith.constant 9 : i32
    %shift_right_logical3A_188 = vector.broadcast %shift_right_logical3A_187 : i32 to vector<16xi32>
    %shift_right_logical3A_189 = arith.shrui %gather3A_181, %shift_right_logical3A_188 : vector<16xi32>
    %and3A_190 = arith.constant 511 : i32
    %and3A_191 = vector.broadcast %and3A_190 : i32 to vector<16xi32>
    %and3A_192 = arith.andi %gather3A_181, %and3A_191 : vector<16xi32>
    %mul3A_193 = arith.constant 4096 : i32
    %mul3A_194 = arith.muli %select_n3A, %mul3A_193 : i32
    %add3A_195 = arith.constant 0 : i32
    %add3A_196 = arith.addi %mul3A_194, %add3A_195 : i32
    %add3A_197 = vector.broadcast %add3A_196 : i32 to vector<16xi32>
    %add3A_198 = arith.addi %add3A_197, %shift_right_logical3A_183 : vector<16xi32>
    %swap3A_199 = arith.constant 0 : i32
    %swap3A_200 = arith.index_cast %swap3A_199 : i32 to index
    %swap3A_201 = arith.constant 0 : index
    %swap3A_202 = tpu.vector_load %arg7[%swap3A_200, %swap3A_201] {strides = array<i32>} : memref<4x32xi32, #tpu.memory_space<vmem>>, vector<16xi32>,
    tpu.vector_store %arg7[%swap3A_200, %swap3A_201], %add3A_198 {strides = array<i32>} : memref<4x32xi32, #tpu.memory_space<vmem>>, vector<16xi32>,
    %add3A_203 = arith.constant 0 : i32
    %add3A_204 = arith.addi %mul3A_194, %add3A_203 : i32
    %add3A_205 = vector.broadcast %add3A_204 : i32 to vector<16xi32>
    %add3A_206 = arith.addi %add3A_205, %shift_right_logical3A_189 : vector<16xi32>
    %swap3A_207 = arith.constant 0 : i32
    %swap3A_208 = arith.index_cast %swap3A_207 : i32 to index
    %swap3A_209 = arith.constant 16 : index
    %swap3A_210 = tpu.vector_load %arg7[%swap3A_208, %swap3A_209] {strides = array<i32>} : memref<4x32xi32, #tpu.memory_space<vmem>>, vector<16xi32>,
    tpu.vector_store %arg7[%swap3A_208, %swap3A_209], %add3A_206 {strides = array<i32>} : memref<4x32xi32, #tpu.memory_space<vmem>>, vector<16xi32>,
    %dma_start3A = arith.constant 0 : i32
    %dma_start3A_211 = arith.constant 0 : i32
    %dma_start3A_212 = arith.constant 0 : i32
    %dma_start3A_213 = arith.constant 0 : i32
    %dma_start3A_214 = tpu.memref_slice %arg8[%dma_start3A_211, %dma_start3A_212, %dma_start3A_213] : memref<4x32x512xf32, #tpu.memory_space<vmem>> -> memref<1x32x512xf32, #tpu.memory_space<vmem>>
    %dma_start3A_215 = tpu.memref_squeeze %dma_start3A_214 : memref<1x32x512xf32, #tpu.memory_space<vmem>> -> memref<32x512xf32, #tpu.memory_space<vmem>>
    %dma_start3A_216 = arith.constant 0 : i32
    %dma_start3A_217 = tpu.memref_slice %arg7[%dma_start3A, %dma_start3A_216] : memref<4x32xi32, #tpu.memory_space<vmem>> -> memref<1x32xi32, #tpu.memory_space<vmem>>
    %dma_start3A_218 = tpu.memref_squeeze %dma_start3A_217 : memref<1x32xi32, #tpu.memory_space<vmem>> -> memref<32xi32, #tpu.memory_space<vmem>>
    %dma_start3A_219 = arith.constant 0 : i32
    %dma_start3A_220 = arith.constant 0 : i32
    %dma_start3A_221 = tpu.memref_slice %arg2[%dma_start3A_219, %dma_start3A_220] : memref<65536x512xf32, #tpu.memory_space<hbm>> -> memref<65536x512xf32, #tpu.memory_space<hbm>>
    tpu.enqueue_indirect_dma source(%dma_start3A_221 : memref<65536x512xf32, #tpu.memory_space<hbm>>) target(%dma_start3A_215 : memref<32x512xf32, #tpu.memory_space<vmem>>) offsets(%dma_start3A_218 : memref<32xi32, #tpu.memory_space<vmem>>) semaphore(%arg10 : memref<!tpu.dma_semaphore, #tpu.memory_space<semaphore_mem>>)
    %add3A_222 = arith.constant 512 : i32
    %add3A_223 = arith.addi %mul3A_194, %add3A_222 : i32
    %add3A_224 = vector.broadcast %add3A_223 : i32 to vector<16xi32>
    %add3A_225 = arith.addi %add3A_224, %shift_right_logical3A_183 : vector<16xi32>
    %swap3A_226 = arith.constant 1 : i32
    %swap3A_227 = arith.index_cast %swap3A_226 : i32 to index
    %swap3A_228 = arith.constant 0 : index
    %swap3A_229 = tpu.vector_load %arg7[%swap3A_227, %swap3A_228] {strides = array<i32>} : memref<4x32xi32, #tpu.memory_space<vmem>>, vector<16xi32>,
    tpu.vector_store %arg7[%swap3A_227, %swap3A_228], %add3A_225 {strides = array<i32>} : memref<4x32xi32, #tpu.memory_space<vmem>>, vector<16xi32>,
    %add3A_230 = arith.constant 512 : i32
    %add3A_231 = arith.addi %mul3A_194, %add3A_230 : i32
    %add3A_232 = vector.broadcast %add3A_231 : i32 to vector<16xi32>
    %add3A_233 = arith.addi %add3A_232, %shift_right_logical3A_189 : vector<16xi32>
    %swap3A_234 = arith.constant 1 : i32
    %swap3A_235 = arith.index_cast %swap3A_234 : i32 to index
    %swap3A_236 = arith.constant 16 : index
    %swap3A_237 = tpu.vector_load %arg7[%swap3A_235, %swap3A_236] {strides = array<i32>} : memref<4x32xi32, #tpu.memory_space<vmem>>, vector<16xi32>,
    tpu.vector_store %arg7[%swap3A_235, %swap3A_236], %add3A_233 {strides = array<i32>} : memref<4x32xi32, #tpu.memory_space<vmem>>, vector<16xi32>,
    %dma_start3A_238 = arith.constant 1 : i32
    %dma_start3A_239 = arith.constant 1 : i32
    %dma_start3A_240 = arith.constant 0 : i32
    %dma_start3A_241 = arith.constant 0 : i32
    %dma_start3A_242 = tpu.memref_slice %arg8[%dma_start3A_239, %dma_start3A_240, %dma_start3A_241] : memref<4x32x512xf32, #tpu.memory_space<vmem>> -> memref<1x32x512xf32, #tpu.memory_space<vmem>>
    %dma_start3A_243 = tpu.memref_squeeze %dma_start3A_242 : memref<1x32x512xf32, #tpu.memory_space<vmem>> -> memref<32x512xf32, #tpu.memory_space<vmem>>
    %dma_start3A_244 = arith.constant 0 : i32
    %dma_start3A_245 = tpu.memref_slice %arg7[%dma_start3A_238, %dma_start3A_244] : memref<4x32xi32, #tpu.memory_space<vmem>> -> memref<1x32xi32, #tpu.memory_space<vmem>>
    %dma_start3A_246 = tpu.memref_squeeze %dma_start3A_245 : memref<1x32xi32, #tpu.memory_space<vmem>> -> memref<32xi32, #tpu.memory_space<vmem>>
    %dma_start3A_247 = arith.constant 0 : i32
    %dma_start3A_248 = arith.constant 0 : i32
    %dma_start3A_249 = tpu.memref_slice %arg2[%dma_start3A_247, %dma_start3A_248] : memref<65536x512xf32, #tpu.memory_space<hbm>> -> memref<65536x512xf32, #tpu.memory_space<hbm>>
    tpu.enqueue_indirect_dma source(%dma_start3A_249 : memref<65536x512xf32, #tpu.memory_space<hbm>>) target(%dma_start3A_243 : memref<32x512xf32, #tpu.memory_space<vmem>>) offsets(%dma_start3A_246 : memref<32xi32, #tpu.memory_space<vmem>>) semaphore(%arg11 : memref<!tpu.dma_semaphore, #tpu.memory_space<semaphore_mem>>)
    %add3A_250 = arith.constant 1024 : i32
    %add3A_251 = arith.addi %mul3A_194, %add3A_250 : i32
    %add3A_252 = vector.broadcast %add3A_251 : i32 to vector<16xi32>
    %add3A_253 = arith.addi %add3A_252, %shift_right_logical3A_183 : vector<16xi32>
    %swap3A_254 = arith.constant 2 : i32
    %swap3A_255 = arith.index_cast %swap3A_254 : i32 to index
    %swap3A_256 = arith.constant 0 : index
    %swap3A_257 = tpu.vector_load %arg7[%swap3A_255, %swap3A_256] {strides = array<i32>} : memref<4x32xi32, #tpu.memory_space<vmem>>, vector<16xi32>,
    tpu.vector_store %arg7[%swap3A_255, %swap3A_256], %add3A_253 {strides = array<i32>} : memref<4x32xi32, #tpu.memory_space<vmem>>, vector<16xi32>,
    %add3A_258 = arith.constant 1024 : i32
    %add3A_259 = arith.addi %mul3A_194, %add3A_258 : i32
    %add3A_260 = vector.broadcast %add3A_259 : i32 to vector<16xi32>
    %add3A_261 = arith.addi %add3A_260, %shift_right_logical3A_189 : vector<16xi32>
    %swap3A_262 = arith.constant 2 : i32
    %swap3A_263 = arith.index_cast %swap3A_262 : i32 to index
    %swap3A_264 = arith.constant 16 : index
    %swap3A_265 = tpu.vector_load %arg7[%swap3A_263, %swap3A_264] {strides = array<i32>} : memref<4x32xi32, #tpu.memory_space<vmem>>, vector<16xi32>,
    tpu.vector_store %arg7[%swap3A_263, %swap3A_264], %add3A_261 {strides = array<i32>} : memref<4x32xi32, #tpu.memory_space<vmem>>, vector<16xi32>,
    %dma_start3A_266 = arith.constant 2 : i32
    %dma_start3A_267 = arith.constant 2 : i32
    %dma_start3A_268 = arith.constant 0 : i32
    %dma_start3A_269 = arith.constant 0 : i32
    %dma_start3A_270 = tpu.memref_slice %arg8[%dma_start3A_267, %dma_start3A_268, %dma_start3A_269] : memref<4x32x512xf32, #tpu.memory_space<vmem>> -> memref<1x32x512xf32, #tpu.memory_space<vmem>>
    %dma_start3A_271 = tpu.memref_squeeze %dma_start3A_270 : memref<1x32x512xf32, #tpu.memory_space<vmem>> -> memref<32x512xf32, #tpu.memory_space<vmem>>
    %dma_start3A_272 = arith.constant 0 : i32
    %dma_start3A_273 = tpu.memref_slice %arg7[%dma_start3A_266, %dma_start3A_272] : memref<4x32xi32, #tpu.memory_space<vmem>> -> memref<1x32xi32, #tpu.memory_space<vmem>>
    %dma_start3A_274 = tpu.memref_squeeze %dma_start3A_273 : memref<1x32xi32, #tpu.memory_space<vmem>> -> memref<32xi32, #tpu.memory_space<vmem>>
    %dma_start3A_275 = arith.constant 0 : i32
    %dma_start3A_276 = arith.constant 0 : i32
    %dma_start3A_277 = tpu.memref_slice %arg2[%dma_start3A_275, %dma_start3A_276] : memref<65536x512xf32, #tpu.memory_space<hbm>> -> memref<65536x512xf32, #tpu.memory_space<hbm>>
    tpu.enqueue_indirect_dma source(%dma_start3A_277 : memref<65536x512xf32, #tpu.memory_space<hbm>>) target(%dma_start3A_271 : memref<32x512xf32, #tpu.memory_space<vmem>>) offsets(%dma_start3A_274 : memref<32xi32, #tpu.memory_space<vmem>>) semaphore(%arg12 : memref<!tpu.dma_semaphore, #tpu.memory_space<semaphore_mem>>)
    %add3A_278 = arith.constant 1536 : i32
    %add3A_279 = arith.addi %mul3A_194, %add3A_278 : i32
    %add3A_280 = vector.broadcast %add3A_279 : i32 to vector<16xi32>
    %add3A_281 = arith.addi %add3A_280, %shift_right_logical3A_183 : vector<16xi32>
    %swap3A_282 = arith.constant 3 : i32
    %swap3A_283 = arith.index_cast %swap3A_282 : i32 to index
    %swap3A_284 = arith.constant 0 : index
    %swap3A_285 = tpu.vector_load %arg7[%swap3A_283, %swap3A_284] {strides = array<i32>} : memref<4x32xi32, #tpu.memory_space<vmem>>, vector<16xi32>,
    tpu.vector_store %arg7[%swap3A_283, %swap3A_284], %add3A_281 {strides = array<i32>} : memref<4x32xi32, #tpu.memory_space<vmem>>, vector<16xi32>,
    %add3A_286 = arith.constant 1536 : i32
    %add3A_287 = arith.addi %mul3A_194, %add3A_286 : i32
    %add3A_288 = vector.broadcast %add3A_287 : i32 to vector<16xi32>
    %add3A_289 = arith.addi %add3A_288, %shift_right_logical3A_189 : vector<16xi32>
    %swap3A_290 = arith.constant 3 : i32
    %swap3A_291 = arith.index_cast %swap3A_290 : i32 to index
    %swap3A_292 = arith.constant 16 : index
    %swap3A_293 = tpu.vector_load %arg7[%swap3A_291, %swap3A_292] {strides = array<i32>} : memref<4x32xi32, #tpu.memory_space<vmem>>, vector<16xi32>,
    tpu.vector_store %arg7[%swap3A_291, %swap3A_292], %add3A_289 {strides = array<i32>} : memref<4x32xi32, #tpu.memory_space<vmem>>, vector<16xi32>,
    %dma_start3A_294 = arith.constant 3 : i32
    %dma_start3A_295 = arith.constant 3 : i32
    %dma_start3A_296 = arith.constant 0 : i32
    %dma_start3A_297 = arith.constant 0 : i32
    %dma_start3A_298 = tpu.memref_slice %arg8[%dma_start3A_295, %dma_start3A_296, %dma_start3A_297] : memref<4x32x512xf32, #tpu.memory_space<vmem>> -> memref<1x32x512xf32, #tpu.memory_space<vmem>>
    %dma_start3A_299 = tpu.memref_squeeze %dma_start3A_298 : memref<1x32x512xf32, #tpu.memory_space<vmem>> -> memref<32x512xf32, #tpu.memory_space<vmem>>
    %dma_start3A_300 = arith.constant 0 : i32
    %dma_start3A_301 = tpu.memref_slice %arg7[%dma_start3A_294, %dma_start3A_300] : memref<4x32xi32, #tpu.memory_space<vmem>> -> memref<1x32xi32, #tpu.memory_space<vmem>>
    %dma_start3A_302 = tpu.memref_squeeze %dma_start3A_301 : memref<1x32xi32, #tpu.memory_space<vmem>> -> memref<32xi32, #tpu.memory_space<vmem>>
    %dma_start3A_303 = arith.constant 0 : i32
    %dma_start3A_304 = arith.constant 0 : i32
    %dma_start3A_305 = tpu.memref_slice %arg2[%dma_start3A_303, %dma_start3A_304] : memref<65536x512xf32, #tpu.memory_space<hbm>> -> memref<65536x512xf32, #tpu.memory_space<hbm>>
    tpu.enqueue_indirect_dma source(%dma_start3A_305 : memref<65536x512xf32, #tpu.memory_space<hbm>>) target(%dma_start3A_299 : memref<32x512xf32, #tpu.memory_space<vmem>>) offsets(%dma_start3A_302 : memref<32xi32, #tpu.memory_space<vmem>>) semaphore(%arg13 : memref<!tpu.dma_semaphore, #tpu.memory_space<semaphore_mem>>)
    %broadcast_in_dim3A_306 = arith.constant 1 : i32
    %broadcast_in_dim3A_307 = vector.broadcast %broadcast_in_dim3A_306 : i32 to vector<16xi32>
    %broadcast_in_dim3A_308 = arith.constant 1 : i32
    %broadcast_in_dim3A_309 = vector.broadcast %broadcast_in_dim3A_308 : i32 to vector<16xi32>
    %scan3A = arith.constant 0 : i32
    %scan3A_310 = arith.constant 64 : i32
    %scan3A_311 = arith.addi %scan3A, %scan3A_310 : i32
    %scan3A_312 = arith.constant 1 : i32
    %scan3A_313:2 = scf.for %scan3A_961 = %scan3A to %scan3A_311 step %scan3A_312 iter_args(%scan3A_962 = %broadcast_in_dim3A_307, %scan3A_963 = %broadcast_in_dim3A_309) -> (vector<16xi32>, vector<16xi32>)  : i32 {
      %broadcast_in_dim3A_964 = vector.broadcast %scan3A_961 : i32 to vector<16xi32>
      %gather3A_965 = tpu.vector_load_idx %arg6[%broadcast_in_dim3A_964] : memref<64xi32, #tpu.memory_space<vmem>>[vector<16xi32>], vector<16xi32>,
      %eq3A_966 = arith.cmpi eq, %gather3A_180, %gather3A_965 : vector<16xi32>
      %lt3A_967 = vector.broadcast %scan3A_961 : i32 to vector<16xi32>
      %lt3A_968 = arith.cmpi slt, %add3A_176, %lt3A_967 : vector<16xi32>
      %and3A_969 = arith.andi %eq3A_966, %lt3A_968 : vector<16xi1>
      %jit3A_970 = arith.constant 0 : i32
      %broadcast_in_dim3A_971 = vector.broadcast %jit3A_970 : i32 to vector<16xi32>
      %select_n3A_972 = arith.select %and3A_969, %broadcast_in_dim3A_971, %scan3A_962 : vector<16xi1>, vector<16xi32>
      %eq3A_973 = arith.cmpi eq, %gather3A_181, %gather3A_965 : vector<16xi32>
      %lt3A_974 = vector.broadcast %scan3A_961 : i32 to vector<16xi32>
      %lt3A_975 = arith.cmpi slt, %add3A_179, %lt3A_974 : vector<16xi32>
      %and3A_976 = arith.andi %eq3A_973, %lt3A_975 : vector<16xi1>
      %jit3A_977 = arith.constant 0 : i32
      %broadcast_in_dim3A_978 = vector.broadcast %jit3A_977 : i32 to vector<16xi32>
      %select_n3A_979 = arith.select %and3A_976, %broadcast_in_dim3A_978, %scan3A_963 : vector<16xi1>, vector<16xi32>
      scf.yield %select_n3A_972, %select_n3A_979 : vector<16xi32>, vector<16xi32>
    }
    %scan3A_314 = arith.constant 64 : i32
    %convert_element_type3A_315 = arith.sitofp %scan3A_313#0 : vector<16xi32> to vector<16xf32>
    %convert_element_type3A_316 = arith.sitofp %scan3A_313#1 : vector<16xi32> to vector<16xf32>
    %broadcast_in_dim3A_317 = arith.constant 0.000000e+00 : f32
    %broadcast_in_dim3A_318 = vector.broadcast %broadcast_in_dim3A_317 : f32 to vector<16xf32>
    %broadcast_in_dim3A_319 = arith.constant 0.000000e+00 : f32
    %broadcast_in_dim3A_320 = vector.broadcast %broadcast_in_dim3A_319 : f32 to vector<16xf32>
    %dma_wait3A = arith.constant 0 : i32
    %dma_wait3A_321 = arith.constant 0 : i32
    %dma_wait3A_322 = arith.constant 0 : i32
    %dma_wait3A_323 = arith.constant 0 : i32
    %dma_wait3A_324 = tpu.memref_slice %arg8[%dma_wait3A_321, %dma_wait3A_322, %dma_wait3A_323] : memref<4x32x512xf32, #tpu.memory_space<vmem>> -> memref<1x32x512xf32, #tpu.memory_space<vmem>>
    %dma_wait3A_325 = tpu.memref_squeeze %dma_wait3A_324 : memref<1x32x512xf32, #tpu.memory_space<vmem>> -> memref<32x512xf32, #tpu.memory_space<vmem>>
    %dma_wait3A_326 = arith.constant 0 : i32
    %dma_wait3A_327 = tpu.memref_slice %arg7[%dma_wait3A, %dma_wait3A_326] : memref<4x32xi32, #tpu.memory_space<vmem>> -> memref<1x32xi32, #tpu.memory_space<vmem>>
    %dma_wait3A_328 = tpu.memref_squeeze %dma_wait3A_327 : memref<1x32xi32, #tpu.memory_space<vmem>> -> memref<32xi32, #tpu.memory_space<vmem>>
    %dma_wait3A_329 = arith.constant 0 : i32
    %dma_wait3A_330 = arith.constant 0 : i32
    %dma_wait3A_331 = tpu.memref_slice %arg2[%dma_wait3A_329, %dma_wait3A_330] : memref<65536x512xf32, #tpu.memory_space<hbm>> -> memref<65536x512xf32, #tpu.memory_space<hbm>>
    tpu.wait_indirect_dma semaphore(%arg10 : memref<!tpu.dma_semaphore, #tpu.memory_space<semaphore_mem>>) src(%dma_wait3A_331 : memref<65536x512xf32, #tpu.memory_space<hbm>>) dst(%dma_wait3A_325 : memref<32x512xf32, #tpu.memory_space<vmem>>)
    %gather3A_332 = arith.constant 0 : i32
    %gather3A_333 = arith.constant 0 : i32
    %gather3A_334 = arith.constant 0 : i32
    %gather3A_335 = tpu.memref_slice %arg8[%gather3A_332, %gather3A_333, %gather3A_334] : memref<4x32x512xf32, #tpu.memory_space<vmem>> -> memref<1x32x512xf32, #tpu.memory_space<vmem>>
    %gather3A_336 = tpu.memref_squeeze %gather3A_335 : memref<1x32x512xf32, #tpu.memory_space<vmem>> -> memref<32x512xf32, #tpu.memory_space<vmem>>
    %gather3A_337 = tpu.vector_load_idx %gather3A_336[%iota3A, %and3A_186] : memref<32x512xf32, #tpu.memory_space<vmem>>[vector<16xi32>, vector<16xi32>], vector<16xf32>,
    %add3A_338 = arith.constant 16 : i32
    %add3A_339 = vector.broadcast %add3A_338 : i32 to vector<16xi32>
    %add3A_340 = arith.addi %iota3A, %add3A_339 : vector<16xi32>
    %gather3A_341 = arith.constant 0 : i32
    %gather3A_342 = arith.constant 0 : i32
    %gather3A_343 = arith.constant 0 : i32
    %gather3A_344 = tpu.memref_slice %arg8[%gather3A_341, %gather3A_342, %gather3A_343] : memref<4x32x512xf32, #tpu.memory_space<vmem>> -> memref<1x32x512xf32, #tpu.memory_space<vmem>>
    %gather3A_345 = tpu.memref_squeeze %gather3A_344 : memref<1x32x512xf32, #tpu.memory_space<vmem>> -> memref<32x512xf32, #tpu.memory_space<vmem>>
    %gather3A_346 = tpu.vector_load_idx %gather3A_345[%add3A_340, %and3A_192] : memref<32x512xf32, #tpu.memory_space<vmem>>[vector<16xi32>, vector<16xi32>], vector<16xf32>,
    %mul3A_347 = arith.mulf %convert_element_type3A_315, %gather3A_337 : vector<16xf32>
    %mul3A_348 = arith.mulf %convert_element_type3A_316, %gather3A_346 : vector<16xf32>
    %add3A_349 = arith.addf %mul3A_347, %mul3A_348 : vector<16xf32>
    %add3A_350 = arith.constant 2048 : i32
    %add3A_351 = arith.addi %mul3A_194, %add3A_350 : i32
    %add3A_352 = vector.broadcast %add3A_351 : i32 to vector<16xi32>
    %add3A_353 = arith.addi %add3A_352, %shift_right_logical3A_183 : vector<16xi32>
    %swap3A_354 = arith.constant 0 : i32
    %swap3A_355 = arith.index_cast %swap3A_354 : i32 to index
    %swap3A_356 = arith.constant 0 : index
    %swap3A_357 = tpu.vector_load %arg7[%swap3A_355, %swap3A_356] {strides = array<i32>} : memref<4x32xi32, #tpu.memory_space<vmem>>, vector<16xi32>,
    tpu.vector_store %arg7[%swap3A_355, %swap3A_356], %add3A_353 {strides = array<i32>} : memref<4x32xi32, #tpu.memory_space<vmem>>, vector<16xi32>,
    %add3A_358 = arith.constant 2048 : i32
    %add3A_359 = arith.addi %mul3A_194, %add3A_358 : i32
    %add3A_360 = vector.broadcast %add3A_359 : i32 to vector<16xi32>
    %add3A_361 = arith.addi %add3A_360, %shift_right_logical3A_189 : vector<16xi32>
    %swap3A_362 = arith.constant 0 : i32
    %swap3A_363 = arith.index_cast %swap3A_362 : i32 to index
    %swap3A_364 = arith.constant 16 : index
    %swap3A_365 = tpu.vector_load %arg7[%swap3A_363, %swap3A_364] {strides = array<i32>} : memref<4x32xi32, #tpu.memory_space<vmem>>, vector<16xi32>,
    tpu.vector_store %arg7[%swap3A_363, %swap3A_364], %add3A_361 {strides = array<i32>} : memref<4x32xi32, #tpu.memory_space<vmem>>, vector<16xi32>,
    %dma_start3A_366 = arith.constant 0 : i32
    %dma_start3A_367 = arith.constant 0 : i32
    %dma_start3A_368 = arith.constant 0 : i32
    %dma_start3A_369 = arith.constant 0 : i32
    %dma_start3A_370 = tpu.memref_slice %arg8[%dma_start3A_367, %dma_start3A_368, %dma_start3A_369] : memref<4x32x512xf32, #tpu.memory_space<vmem>> -> memref<1x32x512xf32, #tpu.memory_space<vmem>>
    %dma_start3A_371 = tpu.memref_squeeze %dma_start3A_370 : memref<1x32x512xf32, #tpu.memory_space<vmem>> -> memref<32x512xf32, #tpu.memory_space<vmem>>
    %dma_start3A_372 = arith.constant 0 : i32
    %dma_start3A_373 = tpu.memref_slice %arg7[%dma_start3A_366, %dma_start3A_372] : memref<4x32xi32, #tpu.memory_space<vmem>> -> memref<1x32xi32, #tpu.memory_space<vmem>>
    %dma_start3A_374 = tpu.memref_squeeze %dma_start3A_373 : memref<1x32xi32, #tpu.memory_space<vmem>> -> memref<32xi32, #tpu.memory_space<vmem>>
    %dma_start3A_375 = arith.constant 0 : i32
    %dma_start3A_376 = arith.constant 0 : i32
    %dma_start3A_377 = tpu.memref_slice %arg2[%dma_start3A_375, %dma_start3A_376] : memref<65536x512xf32, #tpu.memory_space<hbm>> -> memref<65536x512xf32, #tpu.memory_space<hbm>>
    tpu.enqueue_indirect_dma source(%dma_start3A_377 : memref<65536x512xf32, #tpu.memory_space<hbm>>) target(%dma_start3A_371 : memref<32x512xf32, #tpu.memory_space<vmem>>) offsets(%dma_start3A_374 : memref<32xi32, #tpu.memory_space<vmem>>) semaphore(%arg10 : memref<!tpu.dma_semaphore, #tpu.memory_space<semaphore_mem>>)
    %dma_wait3A_378 = arith.constant 1 : i32
    %dma_wait3A_379 = arith.constant 1 : i32
    %dma_wait3A_380 = arith.constant 0 : i32
    %dma_wait3A_381 = arith.constant 0 : i32
    %dma_wait3A_382 = tpu.memref_slice %arg8[%dma_wait3A_379, %dma_wait3A_380, %dma_wait3A_381] : memref<4x32x512xf32, #tpu.memory_space<vmem>> -> memref<1x32x512xf32, #tpu.memory_space<vmem>>
    %dma_wait3A_383 = tpu.memref_squeeze %dma_wait3A_382 : memref<1x32x512xf32, #tpu.memory_space<vmem>> -> memref<32x512xf32, #tpu.memory_space<vmem>>
    %dma_wait3A_384 = arith.constant 0 : i32
    %dma_wait3A_385 = tpu.memref_slice %arg7[%dma_wait3A_378, %dma_wait3A_384] : memref<4x32xi32, #tpu.memory_space<vmem>> -> memref<1x32xi32, #tpu.memory_space<vmem>>
    %dma_wait3A_386 = tpu.memref_squeeze %dma_wait3A_385 : memref<1x32xi32, #tpu.memory_space<vmem>> -> memref<32xi32, #tpu.memory_space<vmem>>
    %dma_wait3A_387 = arith.constant 0 : i32
    %dma_wait3A_388 = arith.constant 0 : i32
    %dma_wait3A_389 = tpu.memref_slice %arg2[%dma_wait3A_387, %dma_wait3A_388] : memref<65536x512xf32, #tpu.memory_space<hbm>> -> memref<65536x512xf32, #tpu.memory_space<hbm>>
    tpu.wait_indirect_dma semaphore(%arg11 : memref<!tpu.dma_semaphore, #tpu.memory_space<semaphore_mem>>) src(%dma_wait3A_389 : memref<65536x512xf32, #tpu.memory_space<hbm>>) dst(%dma_wait3A_383 : memref<32x512xf32, #tpu.memory_space<vmem>>)
    %gather3A_390 = arith.constant 1 : i32
    %gather3A_391 = arith.constant 0 : i32
    %gather3A_392 = arith.constant 0 : i32
    %gather3A_393 = tpu.memref_slice %arg8[%gather3A_390, %gather3A_391, %gather3A_392] : memref<4x32x512xf32, #tpu.memory_space<vmem>> -> memref<1x32x512xf32, #tpu.memory_space<vmem>>
    %gather3A_394 = tpu.memref_squeeze %gather3A_393 : memref<1x32x512xf32, #tpu.memory_space<vmem>> -> memref<32x512xf32, #tpu.memory_space<vmem>>
    %gather3A_395 = tpu.vector_load_idx %gather3A_394[%iota3A, %and3A_186] : memref<32x512xf32, #tpu.memory_space<vmem>>[vector<16xi32>, vector<16xi32>], vector<16xf32>,
    %add3A_396 = arith.constant 16 : i32
    %add3A_397 = vector.broadcast %add3A_396 : i32 to vector<16xi32>
    %add3A_398 = arith.addi %iota3A, %add3A_397 : vector<16xi32>
    %gather3A_399 = arith.constant 1 : i32
    %gather3A_400 = arith.constant 0 : i32
    %gather3A_401 = arith.constant 0 : i32
    %gather3A_402 = tpu.memref_slice %arg8[%gather3A_399, %gather3A_400, %gather3A_401] : memref<4x32x512xf32, #tpu.memory_space<vmem>> -> memref<1x32x512xf32, #tpu.memory_space<vmem>>
    %gather3A_403 = tpu.memref_squeeze %gather3A_402 : memref<1x32x512xf32, #tpu.memory_space<vmem>> -> memref<32x512xf32, #tpu.memory_space<vmem>>
    %gather3A_404 = tpu.vector_load_idx %gather3A_403[%add3A_398, %and3A_192] : memref<32x512xf32, #tpu.memory_space<vmem>>[vector<16xi32>, vector<16xi32>], vector<16xf32>,
    %add3A_405 = arith.constant 0 : i32
    %add3A_406 = vector.broadcast %add3A_405 : i32 to vector<16xi32>
    %add3A_407 = arith.addi %broadcast_in_dim3A_33, %add3A_406 : vector<16xi32>
    %gather3A_408 = tpu.vector_load_idx %arg5[%add3A_176, %add3A_407] : memref<64x7xi32, #tpu.memory_space<vmem>>[vector<16xi32>, vector<16xi32>], vector<16xi32>,
    %convert_element_type3A_409 = arith.sitofp %gather3A_408 : vector<16xi32> to vector<16xf32>
    %add3A_410 = arith.constant 0 : i32
    %add3A_411 = vector.broadcast %add3A_410 : i32 to vector<16xi32>
    %add3A_412 = arith.addi %broadcast_in_dim3A_33, %add3A_411 : vector<16xi32>
    %gather3A_413 = tpu.vector_load_idx %arg5[%add3A_179, %add3A_412] : memref<64x7xi32, #tpu.memory_space<vmem>>[vector<16xi32>, vector<16xi32>], vector<16xi32>,
    %convert_element_type3A_414 = arith.sitofp %gather3A_413 : vector<16xi32> to vector<16xf32>
    %sub3A_415 = arith.subf %gather3A_395, %convert_element_type3A_409 : vector<16xf32>
    %sub3A_416 = arith.subf %gather3A_404, %convert_element_type3A_414 : vector<16xf32>
    %abs3A = math.absf %sub3A_415 : vector<16xf32>
    %abs3A_417 = math.absf %sub3A_416 : vector<16xf32>
    %lt3A_418 = arith.constant 1.000000e+00 : f32
    %lt3A_419 = vector.broadcast %lt3A_418 : f32 to vector<16xf32>
    %lt3A_420 = arith.cmpf olt, %abs3A, %lt3A_419 : vector<16xf32>
    %mul3A_421 = arith.constant 5.000000e-01 : f32
    %mul3A_422 = vector.broadcast %mul3A_421 : f32 to vector<16xf32>
    %mul3A_423 = arith.mulf %mul3A_422, %sub3A_415 : vector<16xf32>
    %mul3A_424 = arith.mulf %mul3A_423, %sub3A_415 : vector<16xf32>
    %sub3A_425 = arith.constant 5.000000e-01 : f32
    %sub3A_426 = vector.broadcast %sub3A_425 : f32 to vector<16xf32>
    %sub3A_427 = arith.subf %abs3A, %sub3A_426 : vector<16xf32>
    %select_n3A_428 = arith.select %lt3A_420, %mul3A_424, %sub3A_427 : vector<16xi1>, vector<16xf32>
    %mul3A_429 = arith.mulf %convert_element_type3A_315, %select_n3A_428 : vector<16xf32>
    %add3A_430 = arith.addf %broadcast_in_dim3A_320, %mul3A_429 : vector<16xf32>
    %lt3A_431 = arith.constant 1.000000e+00 : f32
    %lt3A_432 = vector.broadcast %lt3A_431 : f32 to vector<16xf32>
    %lt3A_433 = arith.cmpf olt, %abs3A_417, %lt3A_432 : vector<16xf32>
    %mul3A_434 = arith.constant 5.000000e-01 : f32
    %mul3A_435 = vector.broadcast %mul3A_434 : f32 to vector<16xf32>
    %mul3A_436 = arith.mulf %mul3A_435, %sub3A_416 : vector<16xf32>
    %mul3A_437 = arith.mulf %mul3A_436, %sub3A_416 : vector<16xf32>
    %sub3A_438 = arith.constant 5.000000e-01 : f32
    %sub3A_439 = vector.broadcast %sub3A_438 : f32 to vector<16xf32>
    %sub3A_440 = arith.subf %abs3A_417, %sub3A_439 : vector<16xf32>
    %select_n3A_441 = arith.select %lt3A_433, %mul3A_437, %sub3A_440 : vector<16xi1>, vector<16xf32>
    %mul3A_442 = arith.mulf %convert_element_type3A_316, %select_n3A_441 : vector<16xf32>
    %add3A_443 = arith.addf %add3A_430, %mul3A_442 : vector<16xf32>
    %add3A_444 = arith.constant 2560 : i32
    %add3A_445 = arith.addi %mul3A_194, %add3A_444 : i32
    %add3A_446 = vector.broadcast %add3A_445 : i32 to vector<16xi32>
    %add3A_447 = arith.addi %add3A_446, %shift_right_logical3A_183 : vector<16xi32>
    %swap3A_448 = arith.constant 1 : i32
    %swap3A_449 = arith.index_cast %swap3A_448 : i32 to index
    %swap3A_450 = arith.constant 0 : index
    %swap3A_451 = tpu.vector_load %arg7[%swap3A_449, %swap3A_450] {strides = array<i32>} : memref<4x32xi32, #tpu.memory_space<vmem>>, vector<16xi32>,
    tpu.vector_store %arg7[%swap3A_449, %swap3A_450], %add3A_447 {strides = array<i32>} : memref<4x32xi32, #tpu.memory_space<vmem>>, vector<16xi32>,
    %add3A_452 = arith.constant 2560 : i32
    %add3A_453 = arith.addi %mul3A_194, %add3A_452 : i32
    %add3A_454 = vector.broadcast %add3A_453 : i32 to vector<16xi32>
    %add3A_455 = arith.addi %add3A_454, %shift_right_logical3A_189 : vector<16xi32>
    %swap3A_456 = arith.constant 1 : i32
    %swap3A_457 = arith.index_cast %swap3A_456 : i32 to index
    %swap3A_458 = arith.constant 16 : index
    %swap3A_459 = tpu.vector_load %arg7[%swap3A_457, %swap3A_458] {strides = array<i32>} : memref<4x32xi32, #tpu.memory_space<vmem>>, vector<16xi32>,
    tpu.vector_store %arg7[%swap3A_457, %swap3A_458], %add3A_455 {strides = array<i32>} : memref<4x32xi32, #tpu.memory_space<vmem>>, vector<16xi32>,
    %dma_start3A_460 = arith.constant 1 : i32
    %dma_start3A_461 = arith.constant 1 : i32
    %dma_start3A_462 = arith.constant 0 : i32
    %dma_start3A_463 = arith.constant 0 : i32
    %dma_start3A_464 = tpu.memref_slice %arg8[%dma_start3A_461, %dma_start3A_462, %dma_start3A_463] : memref<4x32x512xf32, #tpu.memory_space<vmem>> -> memref<1x32x512xf32, #tpu.memory_space<vmem>>
    %dma_start3A_465 = tpu.memref_squeeze %dma_start3A_464 : memref<1x32x512xf32, #tpu.memory_space<vmem>> -> memref<32x512xf32, #tpu.memory_space<vmem>>
    %dma_start3A_466 = arith.constant 0 : i32
    %dma_start3A_467 = tpu.memref_slice %arg7[%dma_start3A_460, %dma_start3A_466] : memref<4x32xi32, #tpu.memory_space<vmem>> -> memref<1x32xi32, #tpu.memory_space<vmem>>
    %dma_start3A_468 = tpu.memref_squeeze %dma_start3A_467 : memref<1x32xi32, #tpu.memory_space<vmem>> -> memref<32xi32, #tpu.memory_space<vmem>>
    %dma_start3A_469 = arith.constant 0 : i32
    %dma_start3A_470 = arith.constant 0 : i32
    %dma_start3A_471 = tpu.memref_slice %arg2[%dma_start3A_469, %dma_start3A_470] : memref<65536x512xf32, #tpu.memory_space<hbm>> -> memref<65536x512xf32, #tpu.memory_space<hbm>>
    tpu.enqueue_indirect_dma source(%dma_start3A_471 : memref<65536x512xf32, #tpu.memory_space<hbm>>) target(%dma_start3A_465 : memref<32x512xf32, #tpu.memory_space<vmem>>) offsets(%dma_start3A_468 : memref<32xi32, #tpu.memory_space<vmem>>) semaphore(%arg11 : memref<!tpu.dma_semaphore, #tpu.memory_space<semaphore_mem>>)
    %dma_wait3A_472 = arith.constant 2 : i32
    %dma_wait3A_473 = arith.constant 2 : i32
    %dma_wait3A_474 = arith.constant 0 : i32
    %dma_wait3A_475 = arith.constant 0 : i32
    %dma_wait3A_476 = tpu.memref_slice %arg8[%dma_wait3A_473, %dma_wait3A_474, %dma_wait3A_475] : memref<4x32x512xf32, #tpu.memory_space<vmem>> -> memref<1x32x512xf32, #tpu.memory_space<vmem>>
    %dma_wait3A_477 = tpu.memref_squeeze %dma_wait3A_476 : memref<1x32x512xf32, #tpu.memory_space<vmem>> -> memref<32x512xf32, #tpu.memory_space<vmem>>
    %dma_wait3A_478 = arith.constant 0 : i32
    %dma_wait3A_479 = tpu.memref_slice %arg7[%dma_wait3A_472, %dma_wait3A_478] : memref<4x32xi32, #tpu.memory_space<vmem>> -> memref<1x32xi32, #tpu.memory_space<vmem>>
    %dma_wait3A_480 = tpu.memref_squeeze %dma_wait3A_479 : memref<1x32xi32, #tpu.memory_space<vmem>> -> memref<32xi32, #tpu.memory_space<vmem>>
    %dma_wait3A_481 = arith.constant 0 : i32
    %dma_wait3A_482 = arith.constant 0 : i32
    %dma_wait3A_483 = tpu.memref_slice %arg2[%dma_wait3A_481, %dma_wait3A_482] : memref<65536x512xf32, #tpu.memory_space<hbm>> -> memref<65536x512xf32, #tpu.memory_space<hbm>>
    tpu.wait_indirect_dma semaphore(%arg12 : memref<!tpu.dma_semaphore, #tpu.memory_space<semaphore_mem>>) src(%dma_wait3A_483 : memref<65536x512xf32, #tpu.memory_space<hbm>>) dst(%dma_wait3A_477 : memref<32x512xf32, #tpu.memory_space<vmem>>)
    %gather3A_484 = arith.constant 2 : i32
    %gather3A_485 = arith.constant 0 : i32
    %gather3A_486 = arith.constant 0 : i32
    %gather3A_487 = tpu.memref_slice %arg8[%gather3A_484, %gather3A_485, %gather3A_486] : memref<4x32x512xf32, #tpu.memory_space<vmem>> -> memref<1x32x512xf32, #tpu.memory_space<vmem>>
    %gather3A_488 = tpu.memref_squeeze %gather3A_487 : memref<1x32x512xf32, #tpu.memory_space<vmem>> -> memref<32x512xf32, #tpu.memory_space<vmem>>
    %gather3A_489 = tpu.vector_load_idx %gather3A_488[%iota3A, %and3A_186] : memref<32x512xf32, #tpu.memory_space<vmem>>[vector<16xi32>, vector<16xi32>], vector<16xf32>,
    %add3A_490 = arith.constant 16 : i32
    %add3A_491 = vector.broadcast %add3A_490 : i32 to vector<16xi32>
    %add3A_492 = arith.addi %iota3A, %add3A_491 : vector<16xi32>
    %gather3A_493 = arith.constant 2 : i32
    %gather3A_494 = arith.constant 0 : i32
    %gather3A_495 = arith.constant 0 : i32
    %gather3A_496 = tpu.memref_slice %arg8[%gather3A_493, %gather3A_494, %gather3A_495] : memref<4x32x512xf32, #tpu.memory_space<vmem>> -> memref<1x32x512xf32, #tpu.memory_space<vmem>>
    %gather3A_497 = tpu.memref_squeeze %gather3A_496 : memref<1x32x512xf32, #tpu.memory_space<vmem>> -> memref<32x512xf32, #tpu.memory_space<vmem>>
    %gather3A_498 = tpu.vector_load_idx %gather3A_497[%add3A_492, %and3A_192] : memref<32x512xf32, #tpu.memory_space<vmem>>[vector<16xi32>, vector<16xi32>], vector<16xf32>,
    %add3A_499 = arith.constant 1 : i32
    %add3A_500 = vector.broadcast %add3A_499 : i32 to vector<16xi32>
    %add3A_501 = arith.addi %broadcast_in_dim3A_33, %add3A_500 : vector<16xi32>
    %gather3A_502 = tpu.vector_load_idx %arg5[%add3A_176, %add3A_501] : memref<64x7xi32, #tpu.memory_space<vmem>>[vector<16xi32>, vector<16xi32>], vector<16xi32>,
    %convert_element_type3A_503 = arith.sitofp %gather3A_502 : vector<16xi32> to vector<16xf32>
    %add3A_504 = arith.constant 1 : i32
    %add3A_505 = vector.broadcast %add3A_504 : i32 to vector<16xi32>
    %add3A_506 = arith.addi %broadcast_in_dim3A_33, %add3A_505 : vector<16xi32>
    %gather3A_507 = tpu.vector_load_idx %arg5[%add3A_179, %add3A_506] : memref<64x7xi32, #tpu.memory_space<vmem>>[vector<16xi32>, vector<16xi32>], vector<16xi32>,
    %convert_element_type3A_508 = arith.sitofp %gather3A_507 : vector<16xi32> to vector<16xf32>
    %sub3A_509 = arith.subf %gather3A_489, %convert_element_type3A_503 : vector<16xf32>
    %sub3A_510 = arith.subf %gather3A_498, %convert_element_type3A_508 : vector<16xf32>
    %abs3A_511 = math.absf %sub3A_509 : vector<16xf32>
    %abs3A_512 = math.absf %sub3A_510 : vector<16xf32>
    %lt3A_513 = arith.constant 1.000000e+00 : f32
    %lt3A_514 = vector.broadcast %lt3A_513 : f32 to vector<16xf32>
    %lt3A_515 = arith.cmpf olt, %abs3A_511, %lt3A_514 : vector<16xf32>
    %mul3A_516 = arith.constant 5.000000e-01 : f32
    %mul3A_517 = vector.broadcast %mul3A_516 : f32 to vector<16xf32>
    %mul3A_518 = arith.mulf %mul3A_517, %sub3A_509 : vector<16xf32>
    %mul3A_519 = arith.mulf %mul3A_518, %sub3A_509 : vector<16xf32>
    %sub3A_520 = arith.constant 5.000000e-01 : f32
    %sub3A_521 = vector.broadcast %sub3A_520 : f32 to vector<16xf32>
    %sub3A_522 = arith.subf %abs3A_511, %sub3A_521 : vector<16xf32>
    %select_n3A_523 = arith.select %lt3A_515, %mul3A_519, %sub3A_522 : vector<16xi1>, vector<16xf32>
    %mul3A_524 = arith.mulf %convert_element_type3A_315, %select_n3A_523 : vector<16xf32>
    %add3A_525 = arith.addf %add3A_443, %mul3A_524 : vector<16xf32>
    %lt3A_526 = arith.constant 1.000000e+00 : f32
    %lt3A_527 = vector.broadcast %lt3A_526 : f32 to vector<16xf32>
    %lt3A_528 = arith.cmpf olt, %abs3A_512, %lt3A_527 : vector<16xf32>
    %mul3A_529 = arith.constant 5.000000e-01 : f32
    %mul3A_530 = vector.broadcast %mul3A_529 : f32 to vector<16xf32>
    %mul3A_531 = arith.mulf %mul3A_530, %sub3A_510 : vector<16xf32>
    %mul3A_532 = arith.mulf %mul3A_531, %sub3A_510 : vector<16xf32>
    %sub3A_533 = arith.constant 5.000000e-01 : f32
    %sub3A_534 = vector.broadcast %sub3A_533 : f32 to vector<16xf32>
    %sub3A_535 = arith.subf %abs3A_512, %sub3A_534 : vector<16xf32>
    %select_n3A_536 = arith.select %lt3A_528, %mul3A_532, %sub3A_535 : vector<16xi1>, vector<16xf32>
    %mul3A_537 = arith.mulf %convert_element_type3A_316, %select_n3A_536 : vector<16xf32>
    %add3A_538 = arith.addf %add3A_525, %mul3A_537 : vector<16xf32>
    %add3A_539 = arith.constant 3072 : i32
    %add3A_540 = arith.addi %mul3A_194, %add3A_539 : i32
    %add3A_541 = vector.broadcast %add3A_540 : i32 to vector<16xi32>
    %add3A_542 = arith.addi %add3A_541, %shift_right_logical3A_183 : vector<16xi32>
    %swap3A_543 = arith.constant 2 : i32
    %swap3A_544 = arith.index_cast %swap3A_543 : i32 to index
    %swap3A_545 = arith.constant 0 : index
    %swap3A_546 = tpu.vector_load %arg7[%swap3A_544, %swap3A_545] {strides = array<i32>} : memref<4x32xi32, #tpu.memory_space<vmem>>, vector<16xi32>,
    tpu.vector_store %arg7[%swap3A_544, %swap3A_545], %add3A_542 {strides = array<i32>} : memref<4x32xi32, #tpu.memory_space<vmem>>, vector<16xi32>,
    %add3A_547 = arith.constant 3072 : i32
    %add3A_548 = arith.addi %mul3A_194, %add3A_547 : i32
    %add3A_549 = vector.broadcast %add3A_548 : i32 to vector<16xi32>
    %add3A_550 = arith.addi %add3A_549, %shift_right_logical3A_189 : vector<16xi32>
    %swap3A_551 = arith.constant 2 : i32
    %swap3A_552 = arith.index_cast %swap3A_551 : i32 to index
    %swap3A_553 = arith.constant 16 : index
    %swap3A_554 = tpu.vector_load %arg7[%swap3A_552, %swap3A_553] {strides = array<i32>} : memref<4x32xi32, #tpu.memory_space<vmem>>, vector<16xi32>,
    tpu.vector_store %arg7[%swap3A_552, %swap3A_553], %add3A_550 {strides = array<i32>} : memref<4x32xi32, #tpu.memory_space<vmem>>, vector<16xi32>,
    %dma_start3A_555 = arith.constant 2 : i32
    %dma_start3A_556 = arith.constant 2 : i32
    %dma_start3A_557 = arith.constant 0 : i32
    %dma_start3A_558 = arith.constant 0 : i32
    %dma_start3A_559 = tpu.memref_slice %arg8[%dma_start3A_556, %dma_start3A_557, %dma_start3A_558] : memref<4x32x512xf32, #tpu.memory_space<vmem>> -> memref<1x32x512xf32, #tpu.memory_space<vmem>>
    %dma_start3A_560 = tpu.memref_squeeze %dma_start3A_559 : memref<1x32x512xf32, #tpu.memory_space<vmem>> -> memref<32x512xf32, #tpu.memory_space<vmem>>
    %dma_start3A_561 = arith.constant 0 : i32
    %dma_start3A_562 = tpu.memref_slice %arg7[%dma_start3A_555, %dma_start3A_561] : memref<4x32xi32, #tpu.memory_space<vmem>> -> memref<1x32xi32, #tpu.memory_space<vmem>>
    %dma_start3A_563 = tpu.memref_squeeze %dma_start3A_562 : memref<1x32xi32, #tpu.memory_space<vmem>> -> memref<32xi32, #tpu.memory_space<vmem>>
    %dma_start3A_564 = arith.constant 0 : i32
    %dma_start3A_565 = arith.constant 0 : i32
    %dma_start3A_566 = tpu.memref_slice %arg2[%dma_start3A_564, %dma_start3A_565] : memref<65536x512xf32, #tpu.memory_space<hbm>> -> memref<65536x512xf32, #tpu.memory_space<hbm>>
    tpu.enqueue_indirect_dma source(%dma_start3A_566 : memref<65536x512xf32, #tpu.memory_space<hbm>>) target(%dma_start3A_560 : memref<32x512xf32, #tpu.memory_space<vmem>>) offsets(%dma_start3A_563 : memref<32xi32, #tpu.memory_space<vmem>>) semaphore(%arg12 : memref<!tpu.dma_semaphore, #tpu.memory_space<semaphore_mem>>)
    %dma_wait3A_567 = arith.constant 3 : i32
    %dma_wait3A_568 = arith.constant 3 : i32
    %dma_wait3A_569 = arith.constant 0 : i32
    %dma_wait3A_570 = arith.constant 0 : i32
    %dma_wait3A_571 = tpu.memref_slice %arg8[%dma_wait3A_568, %dma_wait3A_569, %dma_wait3A_570] : memref<4x32x512xf32, #tpu.memory_space<vmem>> -> memref<1x32x512xf32, #tpu.memory_space<vmem>>
    %dma_wait3A_572 = tpu.memref_squeeze %dma_wait3A_571 : memref<1x32x512xf32, #tpu.memory_space<vmem>> -> memref<32x512xf32, #tpu.memory_space<vmem>>
    %dma_wait3A_573 = arith.constant 0 : i32
    %dma_wait3A_574 = tpu.memref_slice %arg7[%dma_wait3A_567, %dma_wait3A_573] : memref<4x32xi32, #tpu.memory_space<vmem>> -> memref<1x32xi32, #tpu.memory_space<vmem>>
    %dma_wait3A_575 = tpu.memref_squeeze %dma_wait3A_574 : memref<1x32xi32, #tpu.memory_space<vmem>> -> memref<32xi32, #tpu.memory_space<vmem>>
    %dma_wait3A_576 = arith.constant 0 : i32
    %dma_wait3A_577 = arith.constant 0 : i32
    %dma_wait3A_578 = tpu.memref_slice %arg2[%dma_wait3A_576, %dma_wait3A_577] : memref<65536x512xf32, #tpu.memory_space<hbm>> -> memref<65536x512xf32, #tpu.memory_space<hbm>>
    tpu.wait_indirect_dma semaphore(%arg13 : memref<!tpu.dma_semaphore, #tpu.memory_space<semaphore_mem>>) src(%dma_wait3A_578 : memref<65536x512xf32, #tpu.memory_space<hbm>>) dst(%dma_wait3A_572 : memref<32x512xf32, #tpu.memory_space<vmem>>)
    %gather3A_579 = arith.constant 3 : i32
    %gather3A_580 = arith.constant 0 : i32
    %gather3A_581 = arith.constant 0 : i32
    %gather3A_582 = tpu.memref_slice %arg8[%gather3A_579, %gather3A_580, %gather3A_581] : memref<4x32x512xf32, #tpu.memory_space<vmem>> -> memref<1x32x512xf32, #tpu.memory_space<vmem>>
    %gather3A_583 = tpu.memref_squeeze %gather3A_582 : memref<1x32x512xf32, #tpu.memory_space<vmem>> -> memref<32x512xf32, #tpu.memory_space<vmem>>
    %gather3A_584 = tpu.vector_load_idx %gather3A_583[%iota3A, %and3A_186] : memref<32x512xf32, #tpu.memory_space<vmem>>[vector<16xi32>, vector<16xi32>], vector<16xf32>,
    %add3A_585 = arith.constant 16 : i32
    %add3A_586 = vector.broadcast %add3A_585 : i32 to vector<16xi32>
    %add3A_587 = arith.addi %iota3A, %add3A_586 : vector<16xi32>
    %gather3A_588 = arith.constant 3 : i32
    %gather3A_589 = arith.constant 0 : i32
    %gather3A_590 = arith.constant 0 : i32
    %gather3A_591 = tpu.memref_slice %arg8[%gather3A_588, %gather3A_589, %gather3A_590] : memref<4x32x512xf32, #tpu.memory_space<vmem>> -> memref<1x32x512xf32, #tpu.memory_space<vmem>>
    %gather3A_592 = tpu.memref_squeeze %gather3A_591 : memref<1x32x512xf32, #tpu.memory_space<vmem>> -> memref<32x512xf32, #tpu.memory_space<vmem>>
    %gather3A_593 = tpu.vector_load_idx %gather3A_592[%add3A_587, %and3A_192] : memref<32x512xf32, #tpu.memory_space<vmem>>[vector<16xi32>, vector<16xi32>], vector<16xf32>,
    %add3A_594 = arith.constant 2 : i32
    %add3A_595 = vector.broadcast %add3A_594 : i32 to vector<16xi32>
    %add3A_596 = arith.addi %broadcast_in_dim3A_33, %add3A_595 : vector<16xi32>
    %gather3A_597 = tpu.vector_load_idx %arg5[%add3A_176, %add3A_596] : memref<64x7xi32, #tpu.memory_space<vmem>>[vector<16xi32>, vector<16xi32>], vector<16xi32>,
    %convert_element_type3A_598 = arith.sitofp %gather3A_597 : vector<16xi32> to vector<16xf32>
    %add3A_599 = arith.constant 2 : i32
    %add3A_600 = vector.broadcast %add3A_599 : i32 to vector<16xi32>
    %add3A_601 = arith.addi %broadcast_in_dim3A_33, %add3A_600 : vector<16xi32>
    %gather3A_602 = tpu.vector_load_idx %arg5[%add3A_179, %add3A_601] : memref<64x7xi32, #tpu.memory_space<vmem>>[vector<16xi32>, vector<16xi32>], vector<16xi32>,
    %convert_element_type3A_603 = arith.sitofp %gather3A_602 : vector<16xi32> to vector<16xf32>
    %sub3A_604 = arith.subf %gather3A_584, %convert_element_type3A_598 : vector<16xf32>
    %sub3A_605 = arith.subf %gather3A_593, %convert_element_type3A_603 : vector<16xf32>
    %abs3A_606 = math.absf %sub3A_604 : vector<16xf32>
    %abs3A_607 = math.absf %sub3A_605 : vector<16xf32>
    %lt3A_608 = arith.constant 1.000000e+00 : f32
    %lt3A_609 = vector.broadcast %lt3A_608 : f32 to vector<16xf32>
    %lt3A_610 = arith.cmpf olt, %abs3A_606, %lt3A_609 : vector<16xf32>
    %mul3A_611 = arith.constant 5.000000e-01 : f32
    %mul3A_612 = vector.broadcast %mul3A_611 : f32 to vector<16xf32>
    %mul3A_613 = arith.mulf %mul3A_612, %sub3A_604 : vector<16xf32>
    %mul3A_614 = arith.mulf %mul3A_613, %sub3A_604 : vector<16xf32>
    %sub3A_615 = arith.constant 5.000000e-01 : f32
    %sub3A_616 = vector.broadcast %sub3A_615 : f32 to vector<16xf32>
    %sub3A_617 = arith.subf %abs3A_606, %sub3A_616 : vector<16xf32>
    %select_n3A_618 = arith.select %lt3A_610, %mul3A_614, %sub3A_617 : vector<16xi1>, vector<16xf32>
    %mul3A_619 = arith.mulf %convert_element_type3A_315, %select_n3A_618 : vector<16xf32>
    %add3A_620 = arith.addf %add3A_538, %mul3A_619 : vector<16xf32>
    %lt3A_621 = arith.constant 1.000000e+00 : f32
    %lt3A_622 = vector.broadcast %lt3A_621 : f32 to vector<16xf32>
    %lt3A_623 = arith.cmpf olt, %abs3A_607, %lt3A_622 : vector<16xf32>
    %mul3A_624 = arith.constant 5.000000e-01 : f32
    %mul3A_625 = vector.broadcast %mul3A_624 : f32 to vector<16xf32>
    %mul3A_626 = arith.mulf %mul3A_625, %sub3A_605 : vector<16xf32>
    %mul3A_627 = arith.mulf %mul3A_626, %sub3A_605 : vector<16xf32>
    %sub3A_628 = arith.constant 5.000000e-01 : f32
    %sub3A_629 = vector.broadcast %sub3A_628 : f32 to vector<16xf32>
    %sub3A_630 = arith.subf %abs3A_607, %sub3A_629 : vector<16xf32>
    %select_n3A_631 = arith.select %lt3A_623, %mul3A_627, %sub3A_630 : vector<16xi1>, vector<16xf32>
    %mul3A_632 = arith.mulf %convert_element_type3A_316, %select_n3A_631 : vector<16xf32>
    %add3A_633 = arith.addf %add3A_620, %mul3A_632 : vector<16xf32>
    %add3A_634 = arith.constant 3584 : i32
    %add3A_635 = arith.addi %mul3A_194, %add3A_634 : i32
    %add3A_636 = vector.broadcast %add3A_635 : i32 to vector<16xi32>
    %add3A_637 = arith.addi %add3A_636, %shift_right_logical3A_183 : vector<16xi32>
    %swap3A_638 = arith.constant 3 : i32
    %swap3A_639 = arith.index_cast %swap3A_638 : i32 to index
    %swap3A_640 = arith.constant 0 : index
    %swap3A_641 = tpu.vector_load %arg7[%swap3A_639, %swap3A_640] {strides = array<i32>} : memref<4x32xi32, #tpu.memory_space<vmem>>, vector<16xi32>,
    tpu.vector_store %arg7[%swap3A_639, %swap3A_640], %add3A_637 {strides = array<i32>} : memref<4x32xi32, #tpu.memory_space<vmem>>, vector<16xi32>,
    %add3A_642 = arith.constant 3584 : i32
    %add3A_643 = arith.addi %mul3A_194, %add3A_642 : i32
    %add3A_644 = vector.broadcast %add3A_643 : i32 to vector<16xi32>
    %add3A_645 = arith.addi %add3A_644, %shift_right_logical3A_189 : vector<16xi32>
    %swap3A_646 = arith.constant 3 : i32
    %swap3A_647 = arith.index_cast %swap3A_646 : i32 to index
    %swap3A_648 = arith.constant 16 : index
    %swap3A_649 = tpu.vector_load %arg7[%swap3A_647, %swap3A_648] {strides = array<i32>} : memref<4x32xi32, #tpu.memory_space<vmem>>, vector<16xi32>,
    tpu.vector_store %arg7[%swap3A_647, %swap3A_648], %add3A_645 {strides = array<i32>} : memref<4x32xi32, #tpu.memory_space<vmem>>, vector<16xi32>,
    %dma_start3A_650 = arith.constant 3 : i32
    %dma_start3A_651 = arith.constant 3 : i32
    %dma_start3A_652 = arith.constant 0 : i32
    %dma_start3A_653 = arith.constant 0 : i32
    %dma_start3A_654 = tpu.memref_slice %arg8[%dma_start3A_651, %dma_start3A_652, %dma_start3A_653] : memref<4x32x512xf32, #tpu.memory_space<vmem>> -> memref<1x32x512xf32, #tpu.memory_space<vmem>>
    %dma_start3A_655 = tpu.memref_squeeze %dma_start3A_654 : memref<1x32x512xf32, #tpu.memory_space<vmem>> -> memref<32x512xf32, #tpu.memory_space<vmem>>
    %dma_start3A_656 = arith.constant 0 : i32
    %dma_start3A_657 = tpu.memref_slice %arg7[%dma_start3A_650, %dma_start3A_656] : memref<4x32xi32, #tpu.memory_space<vmem>> -> memref<1x32xi32, #tpu.memory_space<vmem>>
    %dma_start3A_658 = tpu.memref_squeeze %dma_start3A_657 : memref<1x32xi32, #tpu.memory_space<vmem>> -> memref<32xi32, #tpu.memory_space<vmem>>
    %dma_start3A_659 = arith.constant 0 : i32
    %dma_start3A_660 = arith.constant 0 : i32
    %dma_start3A_661 = tpu.memref_slice %arg2[%dma_start3A_659, %dma_start3A_660] : memref<65536x512xf32, #tpu.memory_space<hbm>> -> memref<65536x512xf32, #tpu.memory_space<hbm>>
    tpu.enqueue_indirect_dma source(%dma_start3A_661 : memref<65536x512xf32, #tpu.memory_space<hbm>>) target(%dma_start3A_655 : memref<32x512xf32, #tpu.memory_space<vmem>>) offsets(%dma_start3A_658 : memref<32xi32, #tpu.memory_space<vmem>>) semaphore(%arg13 : memref<!tpu.dma_semaphore, #tpu.memory_space<semaphore_mem>>)
    %dma_wait3A_662 = arith.constant 0 : i32
    %dma_wait3A_663 = arith.constant 0 : i32
    %dma_wait3A_664 = arith.constant 0 : i32
    %dma_wait3A_665 = arith.constant 0 : i32
    %dma_wait3A_666 = tpu.memref_slice %arg8[%dma_wait3A_663, %dma_wait3A_664, %dma_wait3A_665] : memref<4x32x512xf32, #tpu.memory_space<vmem>> -> memref<1x32x512xf32, #tpu.memory_space<vmem>>
    %dma_wait3A_667 = tpu.memref_squeeze %dma_wait3A_666 : memref<1x32x512xf32, #tpu.memory_space<vmem>> -> memref<32x512xf32, #tpu.memory_space<vmem>>
    %dma_wait3A_668 = arith.constant 0 : i32
    %dma_wait3A_669 = tpu.memref_slice %arg7[%dma_wait3A_662, %dma_wait3A_668] : memref<4x32xi32, #tpu.memory_space<vmem>> -> memref<1x32xi32, #tpu.memory_space<vmem>>
    %dma_wait3A_670 = tpu.memref_squeeze %dma_wait3A_669 : memref<1x32xi32, #tpu.memory_space<vmem>> -> memref<32xi32, #tpu.memory_space<vmem>>
    %dma_wait3A_671 = arith.constant 0 : i32
    %dma_wait3A_672 = arith.constant 0 : i32
    %dma_wait3A_673 = tpu.memref_slice %arg2[%dma_wait3A_671, %dma_wait3A_672] : memref<65536x512xf32, #tpu.memory_space<hbm>> -> memref<65536x512xf32, #tpu.memory_space<hbm>>
    tpu.wait_indirect_dma semaphore(%arg10 : memref<!tpu.dma_semaphore, #tpu.memory_space<semaphore_mem>>) src(%dma_wait3A_673 : memref<65536x512xf32, #tpu.memory_space<hbm>>) dst(%dma_wait3A_667 : memref<32x512xf32, #tpu.memory_space<vmem>>)
    %gather3A_674 = arith.constant 0 : i32
    %gather3A_675 = arith.constant 0 : i32
    %gather3A_676 = arith.constant 0 : i32
    %gather3A_677 = tpu.memref_slice %arg8[%gather3A_674, %gather3A_675, %gather3A_676] : memref<4x32x512xf32, #tpu.memory_space<vmem>> -> memref<1x32x512xf32, #tpu.memory_space<vmem>>
    %gather3A_678 = tpu.memref_squeeze %gather3A_677 : memref<1x32x512xf32, #tpu.memory_space<vmem>> -> memref<32x512xf32, #tpu.memory_space<vmem>>
    %gather3A_679 = tpu.vector_load_idx %gather3A_678[%iota3A, %and3A_186] : memref<32x512xf32, #tpu.memory_space<vmem>>[vector<16xi32>, vector<16xi32>], vector<16xf32>,
    %add3A_680 = arith.constant 16 : i32
    %add3A_681 = vector.broadcast %add3A_680 : i32 to vector<16xi32>
    %add3A_682 = arith.addi %iota3A, %add3A_681 : vector<16xi32>
    %gather3A_683 = arith.constant 0 : i32
    %gather3A_684 = arith.constant 0 : i32
    %gather3A_685 = arith.constant 0 : i32
    %gather3A_686 = tpu.memref_slice %arg8[%gather3A_683, %gather3A_684, %gather3A_685] : memref<4x32x512xf32, #tpu.memory_space<vmem>> -> memref<1x32x512xf32, #tpu.memory_space<vmem>>
    %gather3A_687 = tpu.memref_squeeze %gather3A_686 : memref<1x32x512xf32, #tpu.memory_space<vmem>> -> memref<32x512xf32, #tpu.memory_space<vmem>>
    %gather3A_688 = tpu.vector_load_idx %gather3A_687[%add3A_682, %and3A_192] : memref<32x512xf32, #tpu.memory_space<vmem>>[vector<16xi32>, vector<16xi32>], vector<16xf32>,
    %add3A_689 = arith.constant 3 : i32
    %add3A_690 = vector.broadcast %add3A_689 : i32 to vector<16xi32>
    %add3A_691 = arith.addi %broadcast_in_dim3A_33, %add3A_690 : vector<16xi32>
    %gather3A_692 = tpu.vector_load_idx %arg5[%add3A_176, %add3A_691] : memref<64x7xi32, #tpu.memory_space<vmem>>[vector<16xi32>, vector<16xi32>], vector<16xi32>,
    %convert_element_type3A_693 = arith.sitofp %gather3A_692 : vector<16xi32> to vector<16xf32>
    %add3A_694 = arith.constant 3 : i32
    %add3A_695 = vector.broadcast %add3A_694 : i32 to vector<16xi32>
    %add3A_696 = arith.addi %broadcast_in_dim3A_33, %add3A_695 : vector<16xi32>
    %gather3A_697 = tpu.vector_load_idx %arg5[%add3A_179, %add3A_696] : memref<64x7xi32, #tpu.memory_space<vmem>>[vector<16xi32>, vector<16xi32>], vector<16xi32>,
    %convert_element_type3A_698 = arith.sitofp %gather3A_697 : vector<16xi32> to vector<16xf32>
    %sub3A_699 = arith.subf %gather3A_679, %convert_element_type3A_693 : vector<16xf32>
    %sub3A_700 = arith.subf %gather3A_688, %convert_element_type3A_698 : vector<16xf32>
    %abs3A_701 = math.absf %sub3A_699 : vector<16xf32>
    %abs3A_702 = math.absf %sub3A_700 : vector<16xf32>
    %lt3A_703 = arith.constant 1.000000e+00 : f32
    %lt3A_704 = vector.broadcast %lt3A_703 : f32 to vector<16xf32>
    %lt3A_705 = arith.cmpf olt, %abs3A_701, %lt3A_704 : vector<16xf32>
    %mul3A_706 = arith.constant 5.000000e-01 : f32
    %mul3A_707 = vector.broadcast %mul3A_706 : f32 to vector<16xf32>
    %mul3A_708 = arith.mulf %mul3A_707, %sub3A_699 : vector<16xf32>
    %mul3A_709 = arith.mulf %mul3A_708, %sub3A_699 : vector<16xf32>
    %sub3A_710 = arith.constant 5.000000e-01 : f32
    %sub3A_711 = vector.broadcast %sub3A_710 : f32 to vector<16xf32>
    %sub3A_712 = arith.subf %abs3A_701, %sub3A_711 : vector<16xf32>
    %select_n3A_713 = arith.select %lt3A_705, %mul3A_709, %sub3A_712 : vector<16xi1>, vector<16xf32>
    %mul3A_714 = arith.mulf %convert_element_type3A_315, %select_n3A_713 : vector<16xf32>
    %add3A_715 = arith.addf %add3A_633, %mul3A_714 : vector<16xf32>
    %lt3A_716 = arith.constant 1.000000e+00 : f32
    %lt3A_717 = vector.broadcast %lt3A_716 : f32 to vector<16xf32>
    %lt3A_718 = arith.cmpf olt, %abs3A_702, %lt3A_717 : vector<16xf32>
    %mul3A_719 = arith.constant 5.000000e-01 : f32
    %mul3A_720 = vector.broadcast %mul3A_719 : f32 to vector<16xf32>
    %mul3A_721 = arith.mulf %mul3A_720, %sub3A_700 : vector<16xf32>
    %mul3A_722 = arith.mulf %mul3A_721, %sub3A_700 : vector<16xf32>
    %sub3A_723 = arith.constant 5.000000e-01 : f32
    %sub3A_724 = vector.broadcast %sub3A_723 : f32 to vector<16xf32>
    %sub3A_725 = arith.subf %abs3A_702, %sub3A_724 : vector<16xf32>
    %select_n3A_726 = arith.select %lt3A_718, %mul3A_722, %sub3A_725 : vector<16xi1>, vector<16xf32>
    %mul3A_727 = arith.mulf %convert_element_type3A_316, %select_n3A_726 : vector<16xf32>
    %add3A_728 = arith.addf %add3A_715, %mul3A_727 : vector<16xf32>
    %dma_wait3A_729 = arith.constant 1 : i32
    %dma_wait3A_730 = arith.constant 1 : i32
    %dma_wait3A_731 = arith.constant 0 : i32
    %dma_wait3A_732 = arith.constant 0 : i32
    %dma_wait3A_733 = tpu.memref_slice %arg8[%dma_wait3A_730, %dma_wait3A_731, %dma_wait3A_732] : memref<4x32x512xf32, #tpu.memory_space<vmem>> -> memref<1x32x512xf32, #tpu.memory_space<vmem>>
    %dma_wait3A_734 = tpu.memref_squeeze %dma_wait3A_733 : memref<1x32x512xf32, #tpu.memory_space<vmem>> -> memref<32x512xf32, #tpu.memory_space<vmem>>
    %dma_wait3A_735 = arith.constant 0 : i32
    %dma_wait3A_736 = tpu.memref_slice %arg7[%dma_wait3A_729, %dma_wait3A_735] : memref<4x32xi32, #tpu.memory_space<vmem>> -> memref<1x32xi32, #tpu.memory_space<vmem>>
    %dma_wait3A_737 = tpu.memref_squeeze %dma_wait3A_736 : memref<1x32xi32, #tpu.memory_space<vmem>> -> memref<32xi32, #tpu.memory_space<vmem>>
    %dma_wait3A_738 = arith.constant 0 : i32
    %dma_wait3A_739 = arith.constant 0 : i32
    %dma_wait3A_740 = tpu.memref_slice %arg2[%dma_wait3A_738, %dma_wait3A_739] : memref<65536x512xf32, #tpu.memory_space<hbm>> -> memref<65536x512xf32, #tpu.memory_space<hbm>>
    tpu.wait_indirect_dma semaphore(%arg11 : memref<!tpu.dma_semaphore, #tpu.memory_space<semaphore_mem>>) src(%dma_wait3A_740 : memref<65536x512xf32, #tpu.memory_space<hbm>>) dst(%dma_wait3A_734 : memref<32x512xf32, #tpu.memory_space<vmem>>)
    %gather3A_741 = arith.constant 1 : i32
    %gather3A_742 = arith.constant 0 : i32
    %gather3A_743 = arith.constant 0 : i32
    %gather3A_744 = tpu.memref_slice %arg8[%gather3A_741, %gather3A_742, %gather3A_743] : memref<4x32x512xf32, #tpu.memory_space<vmem>> -> memref<1x32x512xf32, #tpu.memory_space<vmem>>
    %gather3A_745 = tpu.memref_squeeze %gather3A_744 : memref<1x32x512xf32, #tpu.memory_space<vmem>> -> memref<32x512xf32, #tpu.memory_space<vmem>>
    %gather3A_746 = tpu.vector_load_idx %gather3A_745[%iota3A, %and3A_186] : memref<32x512xf32, #tpu.memory_space<vmem>>[vector<16xi32>, vector<16xi32>], vector<16xf32>,
    %add3A_747 = arith.constant 16 : i32
    %add3A_748 = vector.broadcast %add3A_747 : i32 to vector<16xi32>
    %add3A_749 = arith.addi %iota3A, %add3A_748 : vector<16xi32>
    %gather3A_750 = arith.constant 1 : i32
    %gather3A_751 = arith.constant 0 : i32
    %gather3A_752 = arith.constant 0 : i32
    %gather3A_753 = tpu.memref_slice %arg8[%gather3A_750, %gather3A_751, %gather3A_752] : memref<4x32x512xf32, #tpu.memory_space<vmem>> -> memref<1x32x512xf32, #tpu.memory_space<vmem>>
    %gather3A_754 = tpu.memref_squeeze %gather3A_753 : memref<1x32x512xf32, #tpu.memory_space<vmem>> -> memref<32x512xf32, #tpu.memory_space<vmem>>
    %gather3A_755 = tpu.vector_load_idx %gather3A_754[%add3A_749, %and3A_192] : memref<32x512xf32, #tpu.memory_space<vmem>>[vector<16xi32>, vector<16xi32>], vector<16xf32>,
    %add3A_756 = arith.constant 4 : i32
    %add3A_757 = vector.broadcast %add3A_756 : i32 to vector<16xi32>
    %add3A_758 = arith.addi %broadcast_in_dim3A_33, %add3A_757 : vector<16xi32>
    %gather3A_759 = tpu.vector_load_idx %arg5[%add3A_176, %add3A_758] : memref<64x7xi32, #tpu.memory_space<vmem>>[vector<16xi32>, vector<16xi32>], vector<16xi32>,
    %convert_element_type3A_760 = arith.sitofp %gather3A_759 : vector<16xi32> to vector<16xf32>
    %add3A_761 = arith.constant 4 : i32
    %add3A_762 = vector.broadcast %add3A_761 : i32 to vector<16xi32>
    %add3A_763 = arith.addi %broadcast_in_dim3A_33, %add3A_762 : vector<16xi32>
    %gather3A_764 = tpu.vector_load_idx %arg5[%add3A_179, %add3A_763] : memref<64x7xi32, #tpu.memory_space<vmem>>[vector<16xi32>, vector<16xi32>], vector<16xi32>,
    %convert_element_type3A_765 = arith.sitofp %gather3A_764 : vector<16xi32> to vector<16xf32>
    %sub3A_766 = arith.subf %gather3A_746, %convert_element_type3A_760 : vector<16xf32>
    %sub3A_767 = arith.subf %gather3A_755, %convert_element_type3A_765 : vector<16xf32>
    %abs3A_768 = math.absf %sub3A_766 : vector<16xf32>
    %abs3A_769 = math.absf %sub3A_767 : vector<16xf32>
    %lt3A_770 = arith.constant 1.000000e+00 : f32
    %lt3A_771 = vector.broadcast %lt3A_770 : f32 to vector<16xf32>
    %lt3A_772 = arith.cmpf olt, %abs3A_768, %lt3A_771 : vector<16xf32>
    %mul3A_773 = arith.constant 5.000000e-01 : f32
    %mul3A_774 = vector.broadcast %mul3A_773 : f32 to vector<16xf32>
    %mul3A_775 = arith.mulf %mul3A_774, %sub3A_766 : vector<16xf32>
    %mul3A_776 = arith.mulf %mul3A_775, %sub3A_766 : vector<16xf32>
    %sub3A_777 = arith.constant 5.000000e-01 : f32
    %sub3A_778 = vector.broadcast %sub3A_777 : f32 to vector<16xf32>
    %sub3A_779 = arith.subf %abs3A_768, %sub3A_778 : vector<16xf32>
    %select_n3A_780 = arith.select %lt3A_772, %mul3A_776, %sub3A_779 : vector<16xi1>, vector<16xf32>
    %mul3A_781 = arith.mulf %convert_element_type3A_315, %select_n3A_780 : vector<16xf32>
    %add3A_782 = arith.addf %add3A_728, %mul3A_781 : vector<16xf32>
    %lt3A_783 = arith.constant 1.000000e+00 : f32
    %lt3A_784 = vector.broadcast %lt3A_783 : f32 to vector<16xf32>
    %lt3A_785 = arith.cmpf olt, %abs3A_769, %lt3A_784 : vector<16xf32>
    %mul3A_786 = arith.constant 5.000000e-01 : f32
    %mul3A_787 = vector.broadcast %mul3A_786 : f32 to vector<16xf32>
    %mul3A_788 = arith.mulf %mul3A_787, %sub3A_767 : vector<16xf32>
    %mul3A_789 = arith.mulf %mul3A_788, %sub3A_767 : vector<16xf32>
    %sub3A_790 = arith.constant 5.000000e-01 : f32
    %sub3A_791 = vector.broadcast %sub3A_790 : f32 to vector<16xf32>
    %sub3A_792 = arith.subf %abs3A_769, %sub3A_791 : vector<16xf32>
    %select_n3A_793 = arith.select %lt3A_785, %mul3A_789, %sub3A_792 : vector<16xi1>, vector<16xf32>
    %mul3A_794 = arith.mulf %convert_element_type3A_316, %select_n3A_793 : vector<16xf32>
    %add3A_795 = arith.addf %add3A_782, %mul3A_794 : vector<16xf32>
    %dma_wait3A_796 = arith.constant 2 : i32
    %dma_wait3A_797 = arith.constant 2 : i32
    %dma_wait3A_798 = arith.constant 0 : i32
    %dma_wait3A_799 = arith.constant 0 : i32
    %dma_wait3A_800 = tpu.memref_slice %arg8[%dma_wait3A_797, %dma_wait3A_798, %dma_wait3A_799] : memref<4x32x512xf32, #tpu.memory_space<vmem>> -> memref<1x32x512xf32, #tpu.memory_space<vmem>>
    %dma_wait3A_801 = tpu.memref_squeeze %dma_wait3A_800 : memref<1x32x512xf32, #tpu.memory_space<vmem>> -> memref<32x512xf32, #tpu.memory_space<vmem>>
    %dma_wait3A_802 = arith.constant 0 : i32
    %dma_wait3A_803 = tpu.memref_slice %arg7[%dma_wait3A_796, %dma_wait3A_802] : memref<4x32xi32, #tpu.memory_space<vmem>> -> memref<1x32xi32, #tpu.memory_space<vmem>>
    %dma_wait3A_804 = tpu.memref_squeeze %dma_wait3A_803 : memref<1x32xi32, #tpu.memory_space<vmem>> -> memref<32xi32, #tpu.memory_space<vmem>>
    %dma_wait3A_805 = arith.constant 0 : i32
    %dma_wait3A_806 = arith.constant 0 : i32
    %dma_wait3A_807 = tpu.memref_slice %arg2[%dma_wait3A_805, %dma_wait3A_806] : memref<65536x512xf32, #tpu.memory_space<hbm>> -> memref<65536x512xf32, #tpu.memory_space<hbm>>
    tpu.wait_indirect_dma semaphore(%arg12 : memref<!tpu.dma_semaphore, #tpu.memory_space<semaphore_mem>>) src(%dma_wait3A_807 : memref<65536x512xf32, #tpu.memory_space<hbm>>) dst(%dma_wait3A_801 : memref<32x512xf32, #tpu.memory_space<vmem>>)
    %gather3A_808 = arith.constant 2 : i32
    %gather3A_809 = arith.constant 0 : i32
    %gather3A_810 = arith.constant 0 : i32
    %gather3A_811 = tpu.memref_slice %arg8[%gather3A_808, %gather3A_809, %gather3A_810] : memref<4x32x512xf32, #tpu.memory_space<vmem>> -> memref<1x32x512xf32, #tpu.memory_space<vmem>>
    %gather3A_812 = tpu.memref_squeeze %gather3A_811 : memref<1x32x512xf32, #tpu.memory_space<vmem>> -> memref<32x512xf32, #tpu.memory_space<vmem>>
    %gather3A_813 = tpu.vector_load_idx %gather3A_812[%iota3A, %and3A_186] : memref<32x512xf32, #tpu.memory_space<vmem>>[vector<16xi32>, vector<16xi32>], vector<16xf32>,
    %add3A_814 = arith.constant 16 : i32
    %add3A_815 = vector.broadcast %add3A_814 : i32 to vector<16xi32>
    %add3A_816 = arith.addi %iota3A, %add3A_815 : vector<16xi32>
    %gather3A_817 = arith.constant 2 : i32
    %gather3A_818 = arith.constant 0 : i32
    %gather3A_819 = arith.constant 0 : i32
    %gather3A_820 = tpu.memref_slice %arg8[%gather3A_817, %gather3A_818, %gather3A_819] : memref<4x32x512xf32, #tpu.memory_space<vmem>> -> memref<1x32x512xf32, #tpu.memory_space<vmem>>
    %gather3A_821 = tpu.memref_squeeze %gather3A_820 : memref<1x32x512xf32, #tpu.memory_space<vmem>> -> memref<32x512xf32, #tpu.memory_space<vmem>>
    %gather3A_822 = tpu.vector_load_idx %gather3A_821[%add3A_816, %and3A_192] : memref<32x512xf32, #tpu.memory_space<vmem>>[vector<16xi32>, vector<16xi32>], vector<16xf32>,
    %add3A_823 = arith.constant 5 : i32
    %add3A_824 = vector.broadcast %add3A_823 : i32 to vector<16xi32>
    %add3A_825 = arith.addi %broadcast_in_dim3A_33, %add3A_824 : vector<16xi32>
    %gather3A_826 = tpu.vector_load_idx %arg5[%add3A_176, %add3A_825] : memref<64x7xi32, #tpu.memory_space<vmem>>[vector<16xi32>, vector<16xi32>], vector<16xi32>,
    %convert_element_type3A_827 = arith.sitofp %gather3A_826 : vector<16xi32> to vector<16xf32>
    %add3A_828 = arith.constant 5 : i32
    %add3A_829 = vector.broadcast %add3A_828 : i32 to vector<16xi32>
    %add3A_830 = arith.addi %broadcast_in_dim3A_33, %add3A_829 : vector<16xi32>
    %gather3A_831 = tpu.vector_load_idx %arg5[%add3A_179, %add3A_830] : memref<64x7xi32, #tpu.memory_space<vmem>>[vector<16xi32>, vector<16xi32>], vector<16xi32>,
    %convert_element_type3A_832 = arith.sitofp %gather3A_831 : vector<16xi32> to vector<16xf32>
    %sub3A_833 = arith.subf %gather3A_813, %convert_element_type3A_827 : vector<16xf32>
    %sub3A_834 = arith.subf %gather3A_822, %convert_element_type3A_832 : vector<16xf32>
    %abs3A_835 = math.absf %sub3A_833 : vector<16xf32>
    %abs3A_836 = math.absf %sub3A_834 : vector<16xf32>
    %lt3A_837 = arith.constant 1.000000e+00 : f32
    %lt3A_838 = vector.broadcast %lt3A_837 : f32 to vector<16xf32>
    %lt3A_839 = arith.cmpf olt, %abs3A_835, %lt3A_838 : vector<16xf32>
    %mul3A_840 = arith.constant 5.000000e-01 : f32
    %mul3A_841 = vector.broadcast %mul3A_840 : f32 to vector<16xf32>
    %mul3A_842 = arith.mulf %mul3A_841, %sub3A_833 : vector<16xf32>
    %mul3A_843 = arith.mulf %mul3A_842, %sub3A_833 : vector<16xf32>
    %sub3A_844 = arith.constant 5.000000e-01 : f32
    %sub3A_845 = vector.broadcast %sub3A_844 : f32 to vector<16xf32>
    %sub3A_846 = arith.subf %abs3A_835, %sub3A_845 : vector<16xf32>
    %select_n3A_847 = arith.select %lt3A_839, %mul3A_843, %sub3A_846 : vector<16xi1>, vector<16xf32>
    %mul3A_848 = arith.mulf %convert_element_type3A_315, %select_n3A_847 : vector<16xf32>
    %add3A_849 = arith.addf %add3A_795, %mul3A_848 : vector<16xf32>
    %lt3A_850 = arith.constant 1.000000e+00 : f32
    %lt3A_851 = vector.broadcast %lt3A_850 : f32 to vector<16xf32>
    %lt3A_852 = arith.cmpf olt, %abs3A_836, %lt3A_851 : vector<16xf32>
    %mul3A_853 = arith.constant 5.000000e-01 : f32
    %mul3A_854 = vector.broadcast %mul3A_853 : f32 to vector<16xf32>
    %mul3A_855 = arith.mulf %mul3A_854, %sub3A_834 : vector<16xf32>
    %mul3A_856 = arith.mulf %mul3A_855, %sub3A_834 : vector<16xf32>
    %sub3A_857 = arith.constant 5.000000e-01 : f32
    %sub3A_858 = vector.broadcast %sub3A_857 : f32 to vector<16xf32>
    %sub3A_859 = arith.subf %abs3A_836, %sub3A_858 : vector<16xf32>
    %select_n3A_860 = arith.select %lt3A_852, %mul3A_856, %sub3A_859 : vector<16xi1>, vector<16xf32>
    %mul3A_861 = arith.mulf %convert_element_type3A_316, %select_n3A_860 : vector<16xf32>
    %add3A_862 = arith.addf %add3A_849, %mul3A_861 : vector<16xf32>
    %dma_wait3A_863 = arith.constant 3 : i32
    %dma_wait3A_864 = arith.constant 3 : i32
    %dma_wait3A_865 = arith.constant 0 : i32
    %dma_wait3A_866 = arith.constant 0 : i32
    %dma_wait3A_867 = tpu.memref_slice %arg8[%dma_wait3A_864, %dma_wait3A_865, %dma_wait3A_866] : memref<4x32x512xf32, #tpu.memory_space<vmem>> -> memref<1x32x512xf32, #tpu.memory_space<vmem>>
    %dma_wait3A_868 = tpu.memref_squeeze %dma_wait3A_867 : memref<1x32x512xf32, #tpu.memory_space<vmem>> -> memref<32x512xf32, #tpu.memory_space<vmem>>
    %dma_wait3A_869 = arith.constant 0 : i32
    %dma_wait3A_870 = tpu.memref_slice %arg7[%dma_wait3A_863, %dma_wait3A_869] : memref<4x32xi32, #tpu.memory_space<vmem>> -> memref<1x32xi32, #tpu.memory_space<vmem>>
    %dma_wait3A_871 = tpu.memref_squeeze %dma_wait3A_870 : memref<1x32xi32, #tpu.memory_space<vmem>> -> memref<32xi32, #tpu.memory_space<vmem>>
    %dma_wait3A_872 = arith.constant 0 : i32
    %dma_wait3A_873 = arith.constant 0 : i32
    %dma_wait3A_874 = tpu.memref_slice %arg2[%dma_wait3A_872, %dma_wait3A_873] : memref<65536x512xf32, #tpu.memory_space<hbm>> -> memref<65536x512xf32, #tpu.memory_space<hbm>>
    tpu.wait_indirect_dma semaphore(%arg13 : memref<!tpu.dma_semaphore, #tpu.memory_space<semaphore_mem>>) src(%dma_wait3A_874 : memref<65536x512xf32, #tpu.memory_space<hbm>>) dst(%dma_wait3A_868 : memref<32x512xf32, #tpu.memory_space<vmem>>)
    %gather3A_875 = arith.constant 3 : i32
    %gather3A_876 = arith.constant 0 : i32
    %gather3A_877 = arith.constant 0 : i32
    %gather3A_878 = tpu.memref_slice %arg8[%gather3A_875, %gather3A_876, %gather3A_877] : memref<4x32x512xf32, #tpu.memory_space<vmem>> -> memref<1x32x512xf32, #tpu.memory_space<vmem>>
    %gather3A_879 = tpu.memref_squeeze %gather3A_878 : memref<1x32x512xf32, #tpu.memory_space<vmem>> -> memref<32x512xf32, #tpu.memory_space<vmem>>
    %gather3A_880 = tpu.vector_load_idx %gather3A_879[%iota3A, %and3A_186] : memref<32x512xf32, #tpu.memory_space<vmem>>[vector<16xi32>, vector<16xi32>], vector<16xf32>,
    %add3A_881 = arith.constant 16 : i32
    %add3A_882 = vector.broadcast %add3A_881 : i32 to vector<16xi32>
    %add3A_883 = arith.addi %iota3A, %add3A_882 : vector<16xi32>
    %gather3A_884 = arith.constant 3 : i32
    %gather3A_885 = arith.constant 0 : i32
    %gather3A_886 = arith.constant 0 : i32
    %gather3A_887 = tpu.memref_slice %arg8[%gather3A_884, %gather3A_885, %gather3A_886] : memref<4x32x512xf32, #tpu.memory_space<vmem>> -> memref<1x32x512xf32, #tpu.memory_space<vmem>>
    %gather3A_888 = tpu.memref_squeeze %gather3A_887 : memref<1x32x512xf32, #tpu.memory_space<vmem>> -> memref<32x512xf32, #tpu.memory_space<vmem>>
    %gather3A_889 = tpu.vector_load_idx %gather3A_888[%add3A_883, %and3A_192] : memref<32x512xf32, #tpu.memory_space<vmem>>[vector<16xi32>, vector<16xi32>], vector<16xf32>,
    %add3A_890 = arith.constant 6 : i32
    %add3A_891 = vector.broadcast %add3A_890 : i32 to vector<16xi32>
    %add3A_892 = arith.addi %broadcast_in_dim3A_33, %add3A_891 : vector<16xi32>
    %gather3A_893 = tpu.vector_load_idx %arg5[%add3A_176, %add3A_892] : memref<64x7xi32, #tpu.memory_space<vmem>>[vector<16xi32>, vector<16xi32>], vector<16xi32>,
    %convert_element_type3A_894 = arith.sitofp %gather3A_893 : vector<16xi32> to vector<16xf32>
    %add3A_895 = arith.constant 6 : i32
    %add3A_896 = vector.broadcast %add3A_895 : i32 to vector<16xi32>
    %add3A_897 = arith.addi %broadcast_in_dim3A_33, %add3A_896 : vector<16xi32>
    %gather3A_898 = tpu.vector_load_idx %arg5[%add3A_179, %add3A_897] : memref<64x7xi32, #tpu.memory_space<vmem>>[vector<16xi32>, vector<16xi32>], vector<16xi32>,
    %convert_element_type3A_899 = arith.sitofp %gather3A_898 : vector<16xi32> to vector<16xf32>
    %sub3A_900 = arith.subf %gather3A_880, %convert_element_type3A_894 : vector<16xf32>
    %sub3A_901 = arith.subf %gather3A_889, %convert_element_type3A_899 : vector<16xf32>
    %abs3A_902 = math.absf %sub3A_900 : vector<16xf32>
    %abs3A_903 = math.absf %sub3A_901 : vector<16xf32>
    %lt3A_904 = arith.constant 1.000000e+00 : f32
    %lt3A_905 = vector.broadcast %lt3A_904 : f32 to vector<16xf32>
    %lt3A_906 = arith.cmpf olt, %abs3A_902, %lt3A_905 : vector<16xf32>
    %mul3A_907 = arith.constant 5.000000e-01 : f32
    %mul3A_908 = vector.broadcast %mul3A_907 : f32 to vector<16xf32>
    %mul3A_909 = arith.mulf %mul3A_908, %sub3A_900 : vector<16xf32>
    %mul3A_910 = arith.mulf %mul3A_909, %sub3A_900 : vector<16xf32>
    %sub3A_911 = arith.constant 5.000000e-01 : f32
    %sub3A_912 = vector.broadcast %sub3A_911 : f32 to vector<16xf32>
    %sub3A_913 = arith.subf %abs3A_902, %sub3A_912 : vector<16xf32>
    %select_n3A_914 = arith.select %lt3A_906, %mul3A_910, %sub3A_913 : vector<16xi1>, vector<16xf32>
    %mul3A_915 = arith.mulf %convert_element_type3A_315, %select_n3A_914 : vector<16xf32>
    %add3A_916 = arith.addf %add3A_862, %mul3A_915 : vector<16xf32>
    %lt3A_917 = arith.constant 1.000000e+00 : f32
    %lt3A_918 = vector.broadcast %lt3A_917 : f32 to vector<16xf32>
    %lt3A_919 = arith.cmpf olt, %abs3A_903, %lt3A_918 : vector<16xf32>
    %mul3A_920 = arith.constant 5.000000e-01 : f32
    %mul3A_921 = vector.broadcast %mul3A_920 : f32 to vector<16xf32>
    %mul3A_922 = arith.mulf %mul3A_921, %sub3A_901 : vector<16xf32>
    %mul3A_923 = arith.mulf %mul3A_922, %sub3A_901 : vector<16xf32>
    %sub3A_924 = arith.constant 5.000000e-01 : f32
    %sub3A_925 = vector.broadcast %sub3A_924 : f32 to vector<16xf32>
    %sub3A_926 = arith.subf %abs3A_903, %sub3A_925 : vector<16xf32>
    %select_n3A_927 = arith.select %lt3A_919, %mul3A_923, %sub3A_926 : vector<16xi1>, vector<16xf32>
    %mul3A_928 = arith.mulf %convert_element_type3A_316, %select_n3A_927 : vector<16xf32>
    %add3A_929 = arith.addf %add3A_916, %mul3A_928 : vector<16xf32>
    %reduce_sum3A = arith.constant true
    %reduce_sum3A_930 = vector.broadcast %reduce_sum3A : i1 to vector<16xi1>
    %reduce_sum3A_931 = tpu.scan <sum>, %add3A_349 masked %reduce_sum3A_930 : vector<16xf32>, vector<16xi1> -> vector<16xf32>
    %reduce_sum3A_932 = vector.extract %reduce_sum3A_931[15] : f32 from vector<16xf32>
    %reduce_sum3A_933 = arith.constant true
    %reduce_sum3A_934 = vector.broadcast %reduce_sum3A_933 : i1 to vector<16xi1>
    %reduce_sum3A_935 = tpu.scan <sum>, %add3A_929 masked %reduce_sum3A_934 : vector<16xf32>, vector<16xi1> -> vector<16xf32>
    %reduce_sum3A_936 = vector.extract %reduce_sum3A_935[15] : f32 from vector<16xf32>
    %add3A_937 = arith.addf %convert_element_type3A_315, %convert_element_type3A_316 : vector<16xf32>
    %reduce_sum3A_938 = arith.constant true
    %reduce_sum3A_939 = vector.broadcast %reduce_sum3A_938 : i1 to vector<16xi1>
    %reduce_sum3A_940 = tpu.scan <sum>, %add3A_937 masked %reduce_sum3A_939 : vector<16xf32>, vector<16xi1> -> vector<16xf32>
    %reduce_sum3A_941 = vector.extract %reduce_sum3A_940[15] : f32 from vector<16xf32>
    %eq3A_942 = arith.constant 0 : i32
    %eq3A_943 = vector.broadcast %eq3A_942 : i32 to vector<16xi32>
    %eq3A_944 = arith.cmpi eq, %iota3A, %eq3A_943 : vector<16xi32>
    %eq3A_945 = arith.constant 1 : i32
    %eq3A_946 = vector.broadcast %eq3A_945 : i32 to vector<16xi32>
    %eq3A_947 = arith.cmpi eq, %iota3A, %eq3A_946 : vector<16xi32>
    %eq3A_948 = arith.constant 2 : i32
    %eq3A_949 = vector.broadcast %eq3A_948 : i32 to vector<16xi32>
    %eq3A_950 = arith.cmpi eq, %iota3A, %eq3A_949 : vector<16xi32>
    %jit3A_951 = arith.constant 0.000000e+00 : f32
    %broadcast_in_dim3A_952 = vector.broadcast %reduce_sum3A_941 : f32 to vector<16xf32>
    %broadcast_in_dim3A_953 = vector.broadcast %jit3A_951 : f32 to vector<16xf32>
    %select_n3A_954 = arith.select %eq3A_950, %broadcast_in_dim3A_952, %broadcast_in_dim3A_953 : vector<16xi1>, vector<16xf32>
    %broadcast_in_dim3A_955 = vector.broadcast %reduce_sum3A_936 : f32 to vector<16xf32>
    %select_n3A_956 = arith.select %eq3A_947, %broadcast_in_dim3A_955, %select_n3A_954 : vector<16xi1>, vector<16xf32>
    %broadcast_in_dim3A_957 = vector.broadcast %reduce_sum3A_932 : f32 to vector<16xf32>
    %select_n3A_958 = arith.select %eq3A_944, %broadcast_in_dim3A_957, %select_n3A_956 : vector<16xi1>, vector<16xf32>
    %swap3A_959 = arith.constant 0 : index
    %swap3A_960 = tpu.vector_load %arg9[%swap3A_959] {strides = array<i32>} : memref<16xf32, #tpu.memory_space<vmem>>, vector<16xf32>,
    tpu.vector_store %arg9[%swap3A_959], %select_n3A_958 {strides = array<i32>} : memref<16xf32, #tpu.memory_space<vmem>>, vector<16xf32>,
    "tpu.region"() ({
      %run_scoped3A = tpu.sem_alloc : memref<!tpu.dma_semaphore, #tpu.memory_space<semaphore_mem>>
      %dma_start3A_961 = arith.constant 0 : i32
      %dma_start3A_962 = tpu.memref_slice %arg4[%add3A, %dma_start3A_961] : memref<32x16xf32, #tpu.memory_space<hbm>> -> memref<1x16xf32, #tpu.memory_space<hbm>>
      %dma_start3A_963 = tpu.memref_squeeze %dma_start3A_962 : memref<1x16xf32, #tpu.memory_space<hbm>> -> memref<16xf32, #tpu.memory_space<hbm>>
      %dma_start3A_964 = arith.constant 0 : i32
      %dma_start3A_965 = tpu.memref_slice %arg4[%add3A, %dma_start3A_964] : memref<32x16xf32, #tpu.memory_space<hbm>> -> memref<1x16xf32, #tpu.memory_space<hbm>>
      %dma_start3A_966 = tpu.memref_squeeze %dma_start3A_965 : memref<1x16xf32, #tpu.memory_space<hbm>> -> memref<16xf32, #tpu.memory_space<hbm>>
      tpu.enqueue_dma source(%arg9 : memref<16xf32, #tpu.memory_space<vmem>>) target(%dma_start3A_966 : memref<16xf32, #tpu.memory_space<hbm>>) target_semaphore(%run_scoped3A : memref<!tpu.dma_semaphore, #tpu.memory_space<semaphore_mem>>)
      %dma_wait3A_967 = arith.constant 0 : i32
      %dma_wait3A_968 = tpu.memref_slice %arg4[%add3A, %dma_wait3A_967] : memref<32x16xf32, #tpu.memory_space<hbm>> -> memref<1x16xf32, #tpu.memory_space<hbm>>
      %dma_wait3A_969 = tpu.memref_squeeze %dma_wait3A_968 : memref<1x16xf32, #tpu.memory_space<hbm>> -> memref<16xf32, #tpu.memory_space<hbm>>
      %dma_wait3A_970 = arith.constant 0 : i32
      %dma_wait3A_971 = tpu.memref_slice %arg4[%add3A, %dma_wait3A_970] : memref<32x16xf32, #tpu.memory_space<hbm>> -> memref<1x16xf32, #tpu.memory_space<hbm>>
      %dma_wait3A_972 = tpu.memref_squeeze %dma_wait3A_971 : memref<1x16xf32, #tpu.memory_space<hbm>> -> memref<16xf32, #tpu.memory_space<hbm>>
      tpu.wait_dma2 semaphore(%run_scoped3A : memref<!tpu.dma_semaphore, #tpu.memory_space<semaphore_mem>>) src(%arg9 : memref<16xf32, #tpu.memory_space<vmem>>) dst(%dma_wait3A_972 : memref<16xf32, #tpu.memory_space<hbm>>)
      tpu.yield
    }) : () -> ()
    return
  }
}

module attributes {stable_mosaic.version = 14 : i64} {
  func.func @body(%arg0: i32, %arg1: memref<1x1x512x512xf32, #tpu.memory_space<vmem>>, %arg2: memref<1x1x512x512xf32, #tpu.memory_space<vmem>>, %arg3: memref<1x1x512x512xf32, #tpu.memory_space<vmem>>, %arg4: memref<1x1x512x512xf32, #tpu.memory_space<vmem>>, %arg5: memref<1x1xf32, #tpu.memory_space<smem>>, %arg6: memref<8x512xf32, #tpu.memory_space<vmem>>) attributes {dimension_semantics = [#tpu.dimension_semantics<arbitrary>], iteration_bounds = array<i64: 4>, scalar_prefetch = 0 : i64, scratch_operands = 1 : i64, tpu.core_type = #tpu.core_type<tc>, window_params = [{transform_indices = @transform_0, window_bounds = array<i64: 1, 1, 512, 512>}, {transform_indices = @transform_1, window_bounds = array<i64: 1, 1, 512, 512>}, {transform_indices = @transform_2, window_bounds = array<i64: 1, 1, 512, 512>}, {transform_indices = @transform_3, window_bounds = array<i64: 1, 1, 512, 512>}, {transform_indices = @transform_4, window_bounds = array<i64: 1, 1>}]} {
    %eq3A = arith.constant 0 : i32
    %eq3A_0 = arith.cmpi eq, %arg0, %eq3A : i32
    %convert_element_type3A = arith.extui %eq3A_0 : i1 to i32
    %cond3A = arith.constant 0 : i32
    %cond3A_1 = arith.cmpi ne, %convert_element_type3A, %cond3A : i32
    scf.if %cond3A_1 {
      %broadcast_in_dim3A = arith.constant 0.000000e+00 : f32
      %broadcast_in_dim3A_79 = vector.broadcast %broadcast_in_dim3A : f32 to vector<8x512xf32>
      %swap3A_80 = arith.constant 0 : index
      %swap3A_81 = arith.constant 0 : index
      %swap3A_82 = vector.load %arg6[%swap3A_80, %swap3A_81] : memref<8x512xf32, #tpu.memory_space<vmem>>, vector<8x512xf32>
      tpu.vector_store %arg6[%swap3A_80, %swap3A_81], %broadcast_in_dim3A_79 {strides = array<i32>} : memref<8x512xf32, #tpu.memory_space<vmem>>, vector<8x512xf32>,
    } else {
    }
    %get3A = arith.constant 0 : index
    %get3A_2 = arith.constant 0 : index
    %get3A_3 = vector.load %arg6[%get3A, %get3A_2] : memref<8x512xf32, #tpu.memory_space<vmem>>, vector<8x512xf32>
    %get3A_4 = arith.constant 0 : index
    %get3A_5 = arith.constant 0 : index
    %get3A_6 = arith.constant 0 : index
    %get3A_7 = arith.constant 0 : index
    %get3A_8 = vector.load %arg1[%get3A_4, %get3A_5, %get3A_6, %get3A_7] : memref<1x1x512x512xf32, #tpu.memory_space<vmem>>, vector<1x1x512x512xf32>
    %max3A = arith.constant 0.000000e+00 : f32
    %max3A_9 = vector.broadcast %max3A : f32 to vector<1x1x512x512xf32>
    %max3A_10 = arith.maximumf %get3A_8, %max3A_9 : vector<1x1x512x512xf32>
    %abs3A = math.absf %get3A_8 : vector<1x1x512x512xf32>
    %neg3A = arith.constant 0.000000e+00 : f32
    %neg3A_11 = vector.broadcast %neg3A : f32 to vector<1x1x512x512xf32>
    %neg3A_12 = arith.subf %neg3A_11, %abs3A : vector<1x1x512x512xf32>
    %exp3A = math.exp %neg3A_12 : vector<1x1x512x512xf32>
    %log1p3A = math.log1p %exp3A : vector<1x1x512x512xf32>
    %add3A = arith.addf %max3A_10, %log1p3A : vector<1x1x512x512xf32>
    %reshape3A = vector.shape_cast %add3A : vector<1x1x512x512xf32> to vector<64x8x512xf32>
    %reduce_sum3A = arith.constant dense<0.000000e+00> : vector<8x512xf32>
    %reduce_sum3A_13 = vector.multi_reduction <add>, %reshape3A, %reduce_sum3A [0] : vector<64x8x512xf32> to vector<8x512xf32>
    %add3A_14 = arith.addf %get3A_3, %reduce_sum3A_13 : vector<8x512xf32>
    %get3A_15 = arith.constant 0 : index
    %get3A_16 = arith.constant 0 : index
    %get3A_17 = arith.constant 0 : index
    %get3A_18 = arith.constant 0 : index
    %get3A_19 = vector.load %arg2[%get3A_15, %get3A_16, %get3A_17, %get3A_18] : memref<1x1x512x512xf32, #tpu.memory_space<vmem>>, vector<1x1x512x512xf32>
    %max3A_20 = arith.constant 0.000000e+00 : f32
    %max3A_21 = vector.broadcast %max3A_20 : f32 to vector<1x1x512x512xf32>
    %max3A_22 = arith.maximumf %get3A_19, %max3A_21 : vector<1x1x512x512xf32>
    %abs3A_23 = math.absf %get3A_19 : vector<1x1x512x512xf32>
    %neg3A_24 = arith.constant 0.000000e+00 : f32
    %neg3A_25 = vector.broadcast %neg3A_24 : f32 to vector<1x1x512x512xf32>
    %neg3A_26 = arith.subf %neg3A_25, %abs3A_23 : vector<1x1x512x512xf32>
    %exp3A_27 = math.exp %neg3A_26 : vector<1x1x512x512xf32>
    %log1p3A_28 = math.log1p %exp3A_27 : vector<1x1x512x512xf32>
    %add3A_29 = arith.addf %max3A_22, %log1p3A_28 : vector<1x1x512x512xf32>
    %reshape3A_30 = vector.shape_cast %add3A_29 : vector<1x1x512x512xf32> to vector<64x8x512xf32>
    %reduce_sum3A_31 = arith.constant dense<0.000000e+00> : vector<8x512xf32>
    %reduce_sum3A_32 = vector.multi_reduction <add>, %reshape3A_30, %reduce_sum3A_31 [0] : vector<64x8x512xf32> to vector<8x512xf32>
    %add3A_33 = arith.addf %add3A_14, %reduce_sum3A_32 : vector<8x512xf32>
    %get3A_34 = arith.constant 0 : index
    %get3A_35 = arith.constant 0 : index
    %get3A_36 = arith.constant 0 : index
    %get3A_37 = arith.constant 0 : index
    %get3A_38 = vector.load %arg3[%get3A_34, %get3A_35, %get3A_36, %get3A_37] : memref<1x1x512x512xf32, #tpu.memory_space<vmem>>, vector<1x1x512x512xf32>
    %max3A_39 = arith.constant 0.000000e+00 : f32
    %max3A_40 = vector.broadcast %max3A_39 : f32 to vector<1x1x512x512xf32>
    %max3A_41 = arith.maximumf %get3A_38, %max3A_40 : vector<1x1x512x512xf32>
    %abs3A_42 = math.absf %get3A_38 : vector<1x1x512x512xf32>
    %neg3A_43 = arith.constant 0.000000e+00 : f32
    %neg3A_44 = vector.broadcast %neg3A_43 : f32 to vector<1x1x512x512xf32>
    %neg3A_45 = arith.subf %neg3A_44, %abs3A_42 : vector<1x1x512x512xf32>
    %exp3A_46 = math.exp %neg3A_45 : vector<1x1x512x512xf32>
    %log1p3A_47 = math.log1p %exp3A_46 : vector<1x1x512x512xf32>
    %add3A_48 = arith.addf %max3A_41, %log1p3A_47 : vector<1x1x512x512xf32>
    %reshape3A_49 = vector.shape_cast %add3A_48 : vector<1x1x512x512xf32> to vector<64x8x512xf32>
    %reduce_sum3A_50 = arith.constant dense<0.000000e+00> : vector<8x512xf32>
    %reduce_sum3A_51 = vector.multi_reduction <add>, %reshape3A_49, %reduce_sum3A_50 [0] : vector<64x8x512xf32> to vector<8x512xf32>
    %add3A_52 = arith.addf %add3A_33, %reduce_sum3A_51 : vector<8x512xf32>
    %get3A_53 = arith.constant 0 : index
    %get3A_54 = arith.constant 0 : index
    %get3A_55 = arith.constant 0 : index
    %get3A_56 = arith.constant 0 : index
    %get3A_57 = vector.load %arg4[%get3A_53, %get3A_54, %get3A_55, %get3A_56] : memref<1x1x512x512xf32, #tpu.memory_space<vmem>>, vector<1x1x512x512xf32>
    %max3A_58 = arith.constant 0.000000e+00 : f32
    %max3A_59 = vector.broadcast %max3A_58 : f32 to vector<1x1x512x512xf32>
    %max3A_60 = arith.maximumf %get3A_57, %max3A_59 : vector<1x1x512x512xf32>
    %abs3A_61 = math.absf %get3A_57 : vector<1x1x512x512xf32>
    %neg3A_62 = arith.constant 0.000000e+00 : f32
    %neg3A_63 = vector.broadcast %neg3A_62 : f32 to vector<1x1x512x512xf32>
    %neg3A_64 = arith.subf %neg3A_63, %abs3A_61 : vector<1x1x512x512xf32>
    %exp3A_65 = math.exp %neg3A_64 : vector<1x1x512x512xf32>
    %log1p3A_66 = math.log1p %exp3A_65 : vector<1x1x512x512xf32>
    %add3A_67 = arith.addf %max3A_60, %log1p3A_66 : vector<1x1x512x512xf32>
    %reshape3A_68 = vector.shape_cast %add3A_67 : vector<1x1x512x512xf32> to vector<64x8x512xf32>
    %reduce_sum3A_69 = arith.constant dense<0.000000e+00> : vector<8x512xf32>
    %reduce_sum3A_70 = vector.multi_reduction <add>, %reshape3A_68, %reduce_sum3A_69 [0] : vector<64x8x512xf32> to vector<8x512xf32>
    %add3A_71 = arith.addf %add3A_52, %reduce_sum3A_70 : vector<8x512xf32>
    %swap3A = arith.constant 0 : index
    %swap3A_72 = arith.constant 0 : index
    %swap3A_73 = vector.load %arg6[%swap3A, %swap3A_72] : memref<8x512xf32, #tpu.memory_space<vmem>>, vector<8x512xf32>
    tpu.vector_store %arg6[%swap3A, %swap3A_72], %add3A_71 {strides = array<i32>} : memref<8x512xf32, #tpu.memory_space<vmem>>, vector<8x512xf32>,
    %eq3A_74 = arith.constant 3 : i32
    %eq3A_75 = arith.cmpi eq, %arg0, %eq3A_74 : i32
    %convert_element_type3A_76 = arith.extui %eq3A_75 : i1 to i32
    %cond3A_77 = arith.constant 0 : i32
    %cond3A_78 = arith.cmpi ne, %convert_element_type3A_76, %cond3A_77 : i32
    scf.if %cond3A_78 {
      %reduce_sum3A_79 = vector.shape_cast %add3A_71 : vector<8x512xf32> to vector<1x8x512xf32>
      %reduce_sum3A_80 = arith.constant dense<0.000000e+00> : vector<1xf32>
      %reduce_sum3A_81 = vector.multi_reduction <add>, %reduce_sum3A_79, %reduce_sum3A_80 [1, 2] : vector<1x8x512xf32> to vector<1xf32>
      %reduce_sum3A_82 = vector.shape_cast %reduce_sum3A_81 : vector<1xf32> to vector<1x1x1xf32>
      %reduce_sum3A_83 = vector.extract %reduce_sum3A_82[0, 0, 0] : f32 from vector<1x1x1xf32>
      %swap3A_84 = arith.constant 0 : index
      %swap3A_85 = arith.constant 0 : index
      %swap3A_86 = memref.load %arg5[%swap3A_84, %swap3A_85] : memref<1x1xf32, #tpu.memory_space<smem>>
      memref.store %reduce_sum3A_83, %arg5[%swap3A_84, %swap3A_85] : memref<1x1xf32, #tpu.memory_space<smem>>
    } else {
    }
    return
  }
  func.func @transform_0(%arg0: i32) -> (i32, i32, i32, i32) {
    %add3A = arith.constant 0 : i32
    %add3A_0 = arith.addi %add3A, %arg0 : i32
    %c0_i32 = arith.constant 0 : i32
    %c0_i32_1 = arith.constant 0 : i32
    %c0_i32_2 = arith.constant 0 : i32
    %c0_i32_3 = arith.constant 0 : i32
    return %add3A_0, %c0_i32, %c0_i32_1, %c0_i32_2 : i32, i32, i32, i32
  }
  func.func @transform_1(%arg0: i32) -> (i32, i32, i32, i32) {
    %add3A = arith.constant 4 : i32
    %add3A_0 = arith.addi %add3A, %arg0 : i32
    %c0_i32 = arith.constant 0 : i32
    %c0_i32_1 = arith.constant 0 : i32
    %c0_i32_2 = arith.constant 0 : i32
    %c0_i32_3 = arith.constant 0 : i32
    return %add3A_0, %c0_i32, %c0_i32_1, %c0_i32_2 : i32, i32, i32, i32
  }
  func.func @transform_2(%arg0: i32) -> (i32, i32, i32, i32) {
    %add3A = arith.constant 8 : i32
    %add3A_0 = arith.addi %add3A, %arg0 : i32
    %c0_i32 = arith.constant 0 : i32
    %c0_i32_1 = arith.constant 0 : i32
    %c0_i32_2 = arith.constant 0 : i32
    %c0_i32_3 = arith.constant 0 : i32
    return %add3A_0, %c0_i32, %c0_i32_1, %c0_i32_2 : i32, i32, i32, i32
  }
  func.func @transform_3(%arg0: i32) -> (i32, i32, i32, i32) {
    %add3A = arith.constant 12 : i32
    %add3A_0 = arith.addi %add3A, %arg0 : i32
    %c0_i32 = arith.constant 0 : i32
    %c0_i32_1 = arith.constant 0 : i32
    %c0_i32_2 = arith.constant 0 : i32
    %c0_i32_3 = arith.constant 0 : i32
    return %add3A_0, %c0_i32, %c0_i32_1, %c0_i32_2 : i32, i32, i32, i32
  }
  func.func @transform_4(%arg0: i32) -> (i32, i32) {
    %c0_i32 = arith.constant 0 : i32
    %c0_i32_0 = arith.constant 0 : i32
    %c0_i32_1 = arith.constant 0 : i32
    return %c0_i32, %c0_i32_0 : i32, i32
  }
}

</mosaic_0001>

<sc_bundles>
// kernel: kernel.4.cloned.1.call-start
scs
__scs_entry_jumppad:
0x0: {  	(pc) =	sbr.rel $0x88, $3  }
0x1: {  	(tag) =	ssettag $0x0;
	lr =	simm.s32 $0x1  }
0x2: {  	[smem:$0x3F9F] =	sst lr;
	_ =	strace $0xD0000000  }
0x3: {  	_ = 	snop  }
0x4: {  	_ = 	snop  }
0x5: {  	_ = 	snop  }
0x6: {  	_ = 	snop  }
0x7: {  	_ = 	snop  }
__scs_overlays_trampoline_lowered:
0x8: {  	[smem:$0x3FAE] =	sst s0  }
0x9: {  	[smem:$0x3FAF] =	sst s1  }
0xa: {  	[smem:$0x3FB0] =	sst s2  }
0xb: {  	[smem:$0x3FB1] =	sst s3  }
0xc: {  	[smem:$0x3FB2] =	sst s4  }
0xd: {  	[smem:$0x3FB3] =	sst s5  }
0xe: {  	[smem:$0x3FB4] =	sst s6  }
0xf: {  	[smem:$0x3FB5] =	sst s7  }
0x10: {  	[smem:$0x3FB6] =	sst s8  }
0x11: {  	[smem:$0x3FB7] =	sst s9;
	s0 =	simm.s32 @!p0 $0x0  }
0x12: {  	s1 =	sld [smem:$0x3F9D];
	s0 =	simm.s32 @p0 $0x1  }
0x13: {  	[smem:$0x3FB8] =	sst s0;
	s0 =	simm.s32 @!p1 $0x0  }
0x14: {  	s2 =	sld [smem:$0x3F9C];
	s0 =	simm.s32 @p1 $0x1  }
0x15: {  	[smem:$0x3FB9] =	sst s0;
	s0 =	simm.s32 @!p2 $0x0  }
0x16: {  	s3 =	sld [smem:$0x3FDB];
	s0 =	simm.s32 @p2 $0x1  }
0x17: {  	s4 =	simm.s32 $0x1BF5;
	[smem:$0x3FBB] =	sst s0  }
0x18: {  	s0 =	sld [smem:$0x3F9E];
	_ =	swait.ge [sflag:s4], $0x0  }
0x19: {  	s7 =	sld [smem:$0x3F9F]  }
0x1a: {  	s8 =	sadd.s32 $0xFFFFE003, lr  }
0x1b: {  	s9 =	sadd.s32 $0xFFFFFEF7, lr;
	s5 =	simm.s32 $0xFFFFFFFF;
	p2 =	slt.u32 s8, $0xFFFFF086  }
0x1c: {  	p1 =	slt.u32 s9, $0xF7A;
	s5 =	simm.s32 @!p2 $0x0  }
0x1d: {  	s5 =	simm.s32 @p1 $0x1;
	p0 =	seq.s32 s7, s2  }
0x1e: {  	s7 =	smul.u32 @!p0 $0xF7A, s2;
	p2 =	seq.s32 @!p0 s5, $0x0  }
0x1f: {  	s9 =	smul.u32 $0xF7A, s1;
	s8 =	simm.s32 @!p0 $0x1BF5;
	p2 =	por !p2, p0  }
0x20: {  	[sflag:s8] =	ssyncset.s32 @!p0 $0xFFFFF086;
	s6 =	sadd.s32 @!p0 s3, s7;
	s7 =	simm.s32 @!p0 $0x108  }
0x21: {  	s3 =	sadd.s32 s3, s9;
	s6 =	sadd.s32 @!p0 $0x88, s6;
	s7 =	simm.s32 @p2 $0x1082  }
0x22: {  	[simem:s7], [sflag:s8] =	dma.local @!p0 [hbm:s6], $0xF7A  }
0x23: {  	s9 =	sor.u32 $0xD0000000, s2;
	s6 =	simm.s32 $0x108;
	_ =	swait.ge @!p0 [sflag:s8], $0x0  }
0x24: {  	s3 =	sadd.s32 $0x88, s3;
	s6 =	simm.s32 @!p1 $0x1082;
	[sflag:s4] =	ssyncset.s32 $0xFFFFF086  }
0x25: {  	[simem:s6], [sflag:s4] =	dma.local [hbm:s3], $0xF7A  }
0x26: {  	[smem:$0x3F9F] =	sst s1;
	(tag) =	ssettag s2;
	_ =	strace s9  }
0x27: {  	s1 =	sld [smem:$0x3FAF]  }
0x28: {  	s2 =	sld [smem:$0x3FB0]  }
0x29: {  	s4 =	sld [smem:$0x3FB2]  }
0x2a: {  	p0 =	seq.s32 s5, $0x0;
	s5 =	sld [smem:$0x3FB3]  }
0x2b: {  	s6 =	sld [smem:$0x3FB4]  }
0x2c: {  	s7 =	sld [smem:$0x3FB5]  }
0x2d: {  	s3 =	simm.s32 $0x108;
	s8 =	sld [smem:$0x3FB6]  }
0x2e: {  	s3 =	simm.s32 @!p0 $0x1082;
	s9 =	sld [smem:$0x3FB7]  }
0x2f: {  	lr =	sadd.s32 s0, s3;
	s0 =	sld [smem:$0x3FAE]  }
0x30: {  	s3 =	sld [smem:$0x3FB1]  }
0x31: {  	[smem:$0x3FBA] =	sst s10  }
0x32: {  	s10 =	sld [smem:$0x3FB8];
	_ =	sdelay $0x3  }
0x33: {  	p0 =	seq.s32 s10, $0x1;
	s10 =	sld [smem:$0x3FBA];
	_ =	sdelay $0x3  }
0x34: {  	[smem:$0x3FBA] =	sst s10  }
0x35: {  	s10 =	sld [smem:$0x3FB9];
	_ =	sdelay $0x3  }
0x36: {  	p1 =	seq.s32 s10, $0x1;
	s10 =	sld [smem:$0x3FBA];
	_ =	sdelay $0x3  }
0x37: {  	[smem:$0x3FBA] =	sst s10  }
0x38: {  	s10 =	sld [smem:$0x3FBB]  }
0x39: {  	_ = 	snop;
	(pc) =	sbr.ind lr, $3  }
0x3a: {  	_ = 	snop  }
0x3b: {  	_ = 	snop  }
0x3c: {  	p2 =	seq.s32 s10, $0x1;
	s10 =	sld [smem:$0x3FBA]  }
0x3d: {  	_ =	shalt  }
0x3e: {  	_ =	shalt  }
0x3f: {  	_ =	shalt  }
0x40: {  	_ =	shalt  }
0x41: {  	_ =	shalt  }
0x42: {  	_ =	shalt  }
0x43: {  	_ =	shalt  }
0x44: {  	_ =	shalt  }
0x45: {  	_ =	shalt  }
0x46: {  	_ =	shalt  }
0x47: {  	_ =	shalt  }
0x48: {  	_ =	shalt  }
0x49: {  	_ =	shalt  }
0x4a: {  	_ =	shalt  }
0x4b: {  	_ =	shalt  }
0x4c: {  	_ =	shalt  }
0x4d: {  	_ =	shalt  }
0x4e: {  	_ =	shalt  }
0x4f: {  	_ =	shalt  }
0x50: {  	_ =	shalt  }
0x51: {  	_ =	shalt  }
0x52: {  	_ =	shalt  }
0x53: {  	_ =	shalt  }
0x54: {  	_ =	shalt  }
0x55: {  	_ =	shalt  }
0x56: {  	_ =	shalt  }
0x57: {  	_ =	shalt  }
0x58: {  	_ =	shalt  }
0x59: {  	_ =	shalt  }
0x5a: {  	_ =	shalt  }
0x5b: {  	_ =	shalt  }
0x5c: {  	_ =	shalt  }
0x5d: {  	_ =	shalt  }
0x5e: {  	_ =	shalt  }
0x5f: {  	_ =	shalt  }
0x60: {  	_ =	shalt  }
0x61: {  	_ =	shalt  }
0x62: {  	_ =	shalt  }
0x63: {  	_ =	shalt  }
0x64: {  	_ =	shalt  }
0x65: {  	_ =	shalt  }
0x66: {  	_ =	shalt  }
0x67: {  	_ =	shalt  }
0x68: {  	_ =	shalt  }
0x69: {  	_ =	shalt  }
0x6a: {  	_ =	shalt  }
0x6b: {  	_ =	shalt  }
0x6c: {  	_ =	shalt  }
0x6d: {  	_ =	shalt  }
0x6e: {  	_ =	shalt  }
0x6f: {  	_ =	shalt  }
0x70: {  	_ =	shalt  }
0x71: {  	_ =	shalt  }
0x72: {  	_ =	shalt  }
0x73: {  	_ =	shalt  }
0x74: {  	_ =	shalt  }
0x75: {  	_ =	shalt  }
0x76: {  	_ =	shalt  }
0x77: {  	_ =	shalt  }
0x78: {  	_ =	shalt  }
0x79: {  	_ =	shalt  }
0x7a: {  	_ =	shalt  }
0x7b: {  	_ =	shalt  }
0x7c: {  	_ =	shalt  }
0x7d: {  	_ =	shalt  }
0x7e: {  	_ =	shalt  }
0x7f: {  	_ =	shalt  }
0x80: {  	_ =	shalt  }
0x81: {  	_ =	shalt  }
0x82: {  	_ =	shalt  }
0x83: {  	_ =	shalt  }
0x84: {  	_ =	shalt  }
0x85: {  	_ =	shalt  }
0x86: {  	_ =	shalt  }
0x87: {  	_ =	shalt  }
.Lfunc_end0:
.L_simem_size_0:
called_computation_lowered:
.L_overlay_start_0:
0x88: {  	s2 =	sld [smem:$0x3FD9]  }
0x89: {  	s3 =	sld [smem:$0x3FFE];
	_ =	sdelay $0x1  }
0x8a: {  	s1 =	srdreg.scid  }
0x8b: {  	s0 =	sand.u32 $0x1, s1  }
0x8c: {  	s17 =	sshll.u32 s0, $0xA;
	s2 =	sadd.s32 s3, s2  }
0x8d: {  	s2 =	sadd.s32 s2, s17  }
0x8e: {  	[smem:$0x3FC6] =	sst s2  }
0x8f: {  	_ = 	snop  }
0x90: {  	s2 =	sld [smem:$0x3FC9];
	(tm) =	ssettm $0x1  }
0x91: {  	s18 =	sld [smem:$0x3FFB];
	_ =	sdelay $0x3  }
0x92: {  	_ =	strace s18  }
0x93: {  	s3 =	sld [smem:$0x3FFC];
	_ =	sdelay $0x3  }
0x94: {  	_ =	strace s3  }
0x95: {  	s3 =	sld [smem:$0x3FFD];
	_ =	sdelay $0x3  }
0x96: {  	_ =	strace s3  }
0x97: {  	_ =	strace $0x8FFFFFFF  }
0x98: {  	s19 =	sld [smem:$0x3FDB];
	_ =	sdelay $0x1  }
0x99: {  	s4 =	simm.s32 $_scs_section_size  }
0x9a: {  	s5 =	simm.s32 $_size__tile_overlayer_lowered;
	s6 =	simm.s32 $_tile_overlayer_lowered  }
0x9b: {  	s22 =	simm.s32 $0x1BFF;
	s21 =	sshll.u32 s6, $0x1;
	s3 =	sadd.s32 s4, s19  }
0x9c: {  	s7 =	simm.s32 $0x0;
	s20 =	sshll.u32 s5, $0x1;
	s5 =	sadd.s32 s21, s3  }
0x9d: {  	[timem:s7], [sflag:s22] =	dma.local [hbm:s5], s20  }
0x9e: {  	_ =	swait.ge [sflag:s22], s20  }
0x9f: {  	s4 =	ssub.s32 $0x0, s20;
	[sflag:s22] =	ssyncset.done $0x0  }
0xa0: {  	[sflag:s22] =	ssyncadd.s32 s4;
	_ =	sdelay $0x1  }
0xa1: {  	s23 =	simm.s32 $0x1B8B  }
0xa2: {  	_ =	swait.ge [sflag:s23], $0x1  }
0xa3: {  	[sflag:s23] =	ssyncset.done $0x0  }
0xa4: {  	s25 =	simm.s32 $0x1B8E;
	s24 =	sld [smem:$0x3FFE];
	[sflag:s23] =	ssyncadd.s32 $0xFFFFFFFF  }
0xa5: {  	s26 =	simm.s32 $execute0_lowered;
	[smem:$0x3FD2] =	sst s25  }
0xa6: {  	s5 =	sshll.u32 s26, $0x1;
	_ =	strace $0x80000046;
	[dreg:$0x1] =	wrdreg $0xFFFFFFFF  }
0xa7: {  	s28 =	simm.s32 $_size_execute0_lowered;
	s3 =	sadd.s32 s3, s5;
	[dreg:$0x0] =	wrdreg $0x0  }
0xa8: {  	s5 =	sshll.u32 s28, $0x1;
	[dreg:$0x2] =	wrdreg s3  }
0xa9: {  	[dreg:$0x3] =	wrdreg s5  }
0xaa: {  	[dreg:$0x4] =	wrdreg $0xC0  }
0xab: {  	_ =	task [dreg:s7], $0x5FFFF  }
0xac: {  	[dreg:$0x1] =	wrdreg $0xFFFFFFFF  }
0xad: {  	[dreg:$0x0] =	wrdreg $0x60  }
0xae: {  	[dreg:$0x2] =	wrdreg s2  }
0xaf: {  	[dreg:$0x3] =	wrdreg s24  }
0xb0: {  	[dreg:$0x4] =	wrdreg $0x9  }
0xb1: {  	_ =	task.clear_ibuf [dreg:s7], $0x5FFFF;
	_ =	strace $0x90000046  }
0xb2: {  	s29 =	simm.s32 $0x9;
	_ =	strace $0x80000048  }
0xb3: {  	_ =	swait.ge [sflag:s29], $0x1  }
0xb4: {  	[sflag:s29] =	ssyncadd.s32 $0xFFFFFFFF  }
0xb5: {  	_ =	strace $0x90000048  }
0xb6: {  	_ =	sfence  }
0xb7: {  	s30 =	sld [smem:$0x0];
	_ =	sdelay $0x2  }
0xb8: {  	s31 =	sshll.u32 s1, $0xD;
	s1 =	sshrl.u32 s1, $0x2  }
0xb9: {  	s3 =	sand.u32 $0x4000, s31;
	s1 =	sadd.s32 s1, s30  }
0xba: {  	s0 =	sor.u32 s3, s0;
	s1 =	sshll.u32 s1, $0x11  }
0xbb: {  	s0 =	sor.u32 s1, s0  }
0xbc: {  	s0 =	sadd.s32 $0x8F2B, s0  }
0xbd: {  	[sflag:s0] =	ssyncadd.remote.s32 $0x1  }
0xbe: {  	_ =	sfence.sel $0xFFFF  }
0xbf: {  	[dreg:$0x0] =	wrdreg $0xFFFFFFFF;
	(pc) =	sbr.abs _section_cstart, $3  }
0xc0: {  	[dreg:$0x1] =	wrdreg $0xFFFFFFFF  }
0xc1: {  	_ =	task.clear_ibuf [dreg:s7], $0x2FFFF;
	_ =	strace $0x9FFFFFFF  }
0xc2: {  	(tm) =	ssettm $0x7FFFFFFF  }
0xc3: {  	_ =	shalt  }
tec
execute0_lowered:
.L_overlay_start_1:
0x0: {  	(tag) =	ssettag $0x1  }
0x1: {  	v34 =	vlaneseq.u32  }
0x2: {  	vm0 =	vmmov $0xffff;
	v35 =	vimm.s32 $0x1380;
	vm2 =	vcmask $0x300  }
0x3: {  	vm3 =	vcmask $0x704;
	v36 =	vimm.s32 $0x3380;
	vm1 =	vcmask $0xB08  }
0x4: {  	vm4 =	vcmask $0x1714;
	v1 =	vor.u32 $0x10, v34;
	v22 =	vmul.u32 $0x80, v34  }
0x5: {  	s0 =	srdreg.scid;
	v32 =	vand.u32 $0x7, v34;
	v33 =	vshrl.u32 v34, $0x3;
	v35 =	vsel vm2, $0x0, v35  }
0x6: {  	s2 =	sand.u32 $0x1, s0;
	v36 =	vsel vm2, $0x2000, v36;
	vm2 =	vcmask $0xF0C;
	v33 =	vmul.u32 $0x8, v33  }
0x7: {  	s17 =	sshll.u32 s2, $0x5;
	v35 =	vsel vm3, $0x80, v35;
	v36 =	vsel vm3, $0x2080, v36;
	vm3 =	vcmask $0x1310  }
0x8: {  	v0 =	vor.u32 s17, v34;
	v1 =	vor.u32 s17, v1;
	v25 =	vor.u32 $0x1, v22  }
0x9: {  	s3 =	stileid.u32;
	s1 =	simm.s32 $0x1;
	v26 =	vor.u32 $0x800, v22;
	v27 =	vor.u32 $0x801, v22;
	v28 =	vor.u32 $0x1000, v22  }
0xa: {  	s24 =	rddreg [dreg:$0x1];
	s9 =	simm.s32 $0x5;
	s10 =	simm.s32 $0x2000;
	v29 =	vor.u32 $0x1001, v22;
	v30 =	vor.u32 $0x1800, v22;
	v31 =	vor.u32 $0x1801, v22  }
0xb: {  	s8 =	simm.s32 $0x3280;
	s13 =	simm.s32 $0x3A80;
	s28 =	simm.s32 $0x6280;
	v35 =	vsel vm1, $0x100, v35;
	v36 =	vsel vm1, $0x2100, v36;
	v34 =	vor.u32 $0x8, v34  }
0xc: {  	s14 =	simm.s32 $0x8A80;
	s15 =	simm.s32 $0x9280;
	s12 =	simm.s32 $0xA280;
	v7 =	vshll.u32 v0, $0x7;
	v8 =	vshll.u32 v1, $0x7;
	v35 =	vsel vm2, $0x180, v35  }
0xd: {  	s11 =	simm.s32 $0xC280;
	s29 =	simm.s32 $0xF280;
	s16 =	sshll.u32 s3, $0x1;
	v36 =	vsel vm2, $0x2180, v36;
	vm2 =	vcmask $0x1B18;
	v10 =	vor.u32 $0x1, v7  }
0xe: {  	s31 =	simm.s32 $0x10280;
	s30 =	simm.s32 $0x10A80;
	s0 =	sor.u32 s2, s16;
	v11 =	vor.u32 $0x1, v8;
	v13 =	vor.u32 $0x2, v7;
	v14 =	vor.u32 $0x2, v8  }
0xf: {  	p1 =	seq.s32 s2, $0x1;
	s2 =	ssub.s32 $0x2, s2;
	p0 =	seq.s32 s0, $0x0;
	v16 =	vor.u32 $0x3, v7;
	v17 =	vor.u32 $0x3, v8;
	v18 =	vor.u32 $0x4, v7  }
0x10: {  	s16 =	simm.s32 $0x9A80;
	s0 =	sshll.u32 s0, $0x4;
	p0 =	por !p0, !p1;
	v19 =	vor.u32 $0x4, v8;
	v20 =	vor.u32 $0x5, v7;
	v21 =	vor.u32 $0x5, v8  }
0x11: {  	s7 =	sshrl.u32 s2, $0x1;
	s17 =	simm.s32 $0xAA80;
	p0 =	por !p0, !p0;
	v23 =	vor.u32 $0x6, v7;
	v24 =	vor.u32 $0x6, v8;
	v35 =	vsel vm3, $0x200, v35  }
0x12: {  	s0 =	sadd.s32 s0, s24;
	s2 =	ssub.s32 s2, s7;
	v36 =	vsel vm3, $0x2200, v36;
	vm3 =	vcmask $0x1F1C;
	s1 =	simm.s32 @!p0 $0x0;
	v35 =	vsel vm4, $0x280, v35  }
0x13: {  	s7 =	simm.s32 $0x2A80;
	s0 =	sadd.s32 $0x4200, s0;
	v36 =	vsel vm4, $0x2280, v36;
	vm4 =	vcmask $0x2320;
	s4 =	ssub.s32 s3, s1;
	v35 =	vsel vm2, $0x300, v35  }
0x14: {  	s26 =	smax.u32 s2, $0x1;
	s2 =	simm.s32 $0xFA80;
	v36 =	vsel vm2, $0x2300, v36;
	vm2 =	vcmask $0x2724;
	s3 =	sshll.u32 s4, $0xC;
	v35 =	vsel vm3, $0x380, v35  }
0x15: {  	s1 =	rddreg [dreg:$0x0];
	s6 =	sshll.u32 s4, $0xA;
	v36 =	vsel vm3, $0x2380, v36;
	vm3 =	vcmask $0x2B28;
	s4 =	simm.s32 $0xBA80;
	v2 =	vmov s3  }
0x16: {  	s18 =	sor.u32 $0x200, s3;
	s5 =	sor.u32 $0x400, s3;
	s19 =	sor.u32 $0x600, s3;
	v35 =	vsel vm4, $0x1000, v35;
	v36 =	vsel vm4, $0x3000, v36;
	vm4 =	vcmask $0x2F2C  }
0x17: {  	s20 =	sor.u32 $0x800, s3;
	s21 =	sor.u32 $0xA00, s3;
	s22 =	sor.u32 $0xC00, s3;
	v3 =	vmov s18;
	v4 =	vmov s5;
	v5 =	vmov s19  }
0x18: {  	s23 =	sor.u32 $0xE00, s3;
	s3 =	simm.s32 $0x0;
	s6 =	sand.u32 $0x1FFFFC00, s6;
	v6 =	vmov s20;
	v9 =	vmov s21;
	v12 =	vmov s22  }
0x19: {  	v15 =	vmov s23;
	[smem:$0x7FF] =	sst s3;
	s6 =	sadd.s32 s6, s24;
	s19 =	simm.s32 $0x2280;
	v35 =	vsel vm2, $0x1080, v35;
	v36 =	vsel vm2, $0x3080, v36  }
0x1a: {  	s18 =	simm.s32 $0xB280;
	s20 =	simm.s32 $0xCA80;
	vm2 =	vcmask $0x3330;
	s21 =	simm.s32 $0xD280;
	v35 =	vsel vm3, $0x1100, v35;
	v36 =	vsel vm3, $0x3100, v36  }
0x1b: {  	s22 =	simm.s32 $0xDA80;
	s5 =	simm.s32 $0x11A80;
	s23 =	simm.s32 $0x0;
	vm3 =	vcmask $0x3734;
	v35 =	vsel vm4, $0x1180, v35;
	v36 =	vsel vm4, $0x3180, v36  }
0x1c: {  	_ =	strace $0x80000047;
	s25 =	sadd.s32 $0x200, s6;
	[dreg:$0x4] =	wrdreg s0;
	vm4 =	vcmask $0x3B38;
	v35 =	vsel vm2, $0x1200, v35;
	v36 =	vsel vm2, $0x3200, v36  }
0x1d: {  	s6 =	sadd.s32 $0x100, s1;
	[dreg:$0x5] =	wrdreg s26;
	s26 =	simm.s32 $0xEA80;
	vm2 =	vcmask $0x3F08;
	v35 =	vsel vm3, $0x1280, v35;
	v36 =	vsel vm3, $0x3280, v36  }
0x1e: {  	s0 =	simm.s32 $0x11280;
	[dreg:$0x3] =	wrdreg s25;
	s25 =	simm.s32 $0xE280;
	vm3 =	vcmask $0x3F04;
	v35 =	vsel vm4, $0x1300, v35;
	v36 =	vsel vm4, $0x3300, v36  }
.LBB2_1:
0x1f: {  	s24 =	rddreg [dreg:$0x3]  }
0x20: {  	[tilespmem:s3], [sflag:$0x5] =	stream.linear.gather [hbm4b:s24+s3], $0x2000, $0x38;
	[tilespmem:$0x12300] =	vst v63  }
0x21: {  	_ =	swait.ge [sflag:s9], $0x2000  }
0x22: {  	[sflag:s9] =	ssyncset.done $0x0  }
0x23: {  	[sflag:s9] =	ssyncadd.s32 $0xFFFFE000  }
0x24: {  	v37 =	vld.idx.msk [tilespmem:v25+s3+$0x0], $0xffff  }
0x25: {  	v38 =	vld.idx.msk [tilespmem:v22+s3+$0x0], $0xffff;
	_ =	sdelay $0x3  }
0x26: {  	v37 =	vcvt.s32.f32 v37  }
0x27: {  	v38 =	vcvt.s32.f32 v38  }
0x28: {  	v37 =	vmul.f32 $6.400000100e+00, v37  }
0x29: {  	v38 =	vmul.f32 $6.400000100e+00, v38  }
0x2a: {  	v37 =	vmax.f32 v37, $0.0e+00  }
0x2b: {  	v38 =	vmax.f32 v38, $0.0e+00;
	v37 =	vmin.f32 v37, $5.110000000e+02  }
0x2c: {  	v38 =	vmin.f32 v38, $5.110000000e+02;
	v37 =	vtrunc.f32 v37  }
0x2d: {  	v38 =	vtrunc.f32 v38;
	v37 =	vcvt.f32.s32 v37  }
0x2e: {  	v38 =	vcvt.f32.s32 v38  }
0x2f: {  	v37 =	vshll.u32 v37, $0x9  }
0x30: {  	v37 =	vadd.s32 v38, v37  }
0x31: {  	[tilespmem:$0x2000] =	vst v37  }
0x32: {  	v37 =	vld.idx.msk [tilespmem:v27+s3+$0x0], $0xffff  }
0x33: {  	v55 =	vld.idx.msk [tilespmem:v26+s3+$0x0], $0xffff;
	_ =	sdelay $0x3  }
0x34: {  	v37 =	vcvt.s32.f32 v37  }
0x35: {  	v38 =	vcvt.s32.f32 v55  }
0x36: {  	v37 =	vmul.f32 $6.400000100e+00, v37  }
0x37: {  	v38 =	vmul.f32 $6.400000100e+00, v38  }
0x38: {  	v37 =	vmax.f32 v37, $0.0e+00  }
0x39: {  	v38 =	vmax.f32 v38, $0.0e+00;
	v37 =	vmin.f32 v37, $5.110000000e+02  }
0x3a: {  	v38 =	vmin.f32 v38, $5.110000000e+02;
	v37 =	vtrunc.f32 v37  }
0x3b: {  	v38 =	vtrunc.f32 v38;
	v37 =	vcvt.f32.s32 v37  }
0x3c: {  	v38 =	vcvt.f32.s32 v38  }
0x3d: {  	v37 =	vshll.u32 v37, $0x9  }
0x3e: {  	v37 =	vadd.s32 v38, v37  }
0x3f: {  	[tilespmem:$0x2010] =	vst v37  }
0x40: {  	v37 =	vld.idx.msk [tilespmem:v29+s3+$0x0], $0xffff  }
0x41: {  	v56 =	vld.idx.msk [tilespmem:v28+s3+$0x0], $0xffff;
	_ =	sdelay $0x3  }
0x42: {  	v37 =	vcvt.s32.f32 v37  }
0x43: {  	v38 =	vcvt.s32.f32 v56  }
0x44: {  	v37 =	vmul.f32 $6.400000100e+00, v37  }
0x45: {  	v38 =	vmul.f32 $6.400000100e+00, v38  }
0x46: {  	v37 =	vmax.f32 v37, $0.0e+00  }
0x47: {  	v38 =	vmax.f32 v38, $0.0e+00;
	v37 =	vmin.f32 v37, $5.110000000e+02  }
0x48: {  	v38 =	vmin.f32 v38, $5.110000000e+02;
	v37 =	vtrunc.f32 v37  }
0x49: {  	v38 =	vtrunc.f32 v38;
	v37 =	vcvt.f32.s32 v37  }
0x4a: {  	v38 =	vcvt.f32.s32 v38  }
0x4b: {  	v37 =	vshll.u32 v37, $0x9  }
0x4c: {  	v37 =	vadd.s32 v38, v37  }
0x4d: {  	[tilespmem:$0x2020] =	vst v37  }
0x4e: {  	v37 =	vld.idx.msk [tilespmem:v31+s3+$0x0], $0xffff  }
0x4f: {  	v57 =	vld.idx.msk [tilespmem:v30+s3+$0x0], $0xffff;
	_ =	sdelay $0x3  }
0x50: {  	v37 =	vcvt.s32.f32 v37  }
0x51: {  	v38 =	vcvt.s32.f32 v57  }
0x52: {  	v37 =	vmul.f32 $6.400000100e+00, v37  }
0x53: {  	v38 =	vmul.f32 $6.400000100e+00, v38  }
0x54: {  	v37 =	vmax.f32 v37, $0.0e+00  }
0x55: {  	v38 =	vmax.f32 v38, $0.0e+00;
	v37 =	vmin.f32 v37, $5.110000000e+02  }
0x56: {  	v38 =	vmin.f32 v38, $5.110000000e+02;
	v37 =	vtrunc.f32 v37  }
0x57: {  	v38 =	vtrunc.f32 v38;
	v37 =	vcvt.f32.s32 v37  }
0x58: {  	v38 =	vcvt.f32.s32 v38  }
0x59: {  	v37 =	vshll.u32 v37, $0x9  }
0x5a: {  	v37 =	vadd.s32 v38, v37  }
0x5b: {  	[tilespmem:$0x2030] =	vst v37  }
0x5c: {  	v39 =	vld.idx.msk [tilespmem:v0+s10+$0x0], $0xffff;
	_ =	sdelay $0x4  }
0x5d: {  	v45 =	vshrl.u32 v39, $0x9  }
0x5e: {  	v58 =	vadd.s32 v2, v45  }
0x5f: {  	v59 =	vshll.u32 v58, $0x2  }
0x60: {  	v44 =	vand.u32 $0x7, v45;
	v38 =	vand.u32 $0xFFFFFFE0, v59  }
0x61: {  	v40 =	vld.idx.msk [tilespmem:v1+s10+$0x0], $0xffff;
	v38 =	vor.u32 v44, v38  }
0x62: {  	v41 =	vperm.xlane v38, v32;
	_ =	sdelay $0x1  }
0x63: {  	v41 =	vadd.s32 v33, v41;
	_ =	sdelay $0x1  }
0x64: {  	v43 =	vshrl.u32 v40, $0x9;
	v38 =	vperm.xlane v38, v34  }
0x65: {  	v60 =	vadd.s32 v2, v43;
	[tilespmem:$0x2080] =	vst v58  }
0x66: {  	[tilespmem:$0x2090] =	vst v60;
	v61 =	vadd.s32 v33, v38  }
0x67: {  	[tilespmem:s19], [sflag:$0x1] =	stream.indirect_vreg.gather [hbm4b:s1+s3], $0x80, v41, vm0, $0xb8;
	[tilespmem:$0x12300] =	vst v63  }
0x68: {  	_ = 	snop  }
0x69: {  	[tilespmem:s7], [sflag:$0x1] =	stream.indirect_vreg.gather [hbm4b:s6+s3], $0x80, v41, vm0, $0xb8;
	[tilespmem:$0x12300] =	vst v63  }
0x6a: {  	_ = 	snop  }
0x6b: {  	[tilespmem:s8], [sflag:$0x1] =	stream.indirect_vreg.gather [hbm4b:s1+s3], $0x80, v61, vm0, $0xb8;
	[tilespmem:$0x12300] =	vst v63  }
0x6c: {  	_ = 	snop  }
0x6d: {  	[tilespmem:s13], [sflag:$0x1] =	stream.indirect_vreg.gather [hbm4b:s6+s3], $0x80, v61, vm0, $0xb8;
	[tilespmem:$0x12300] =	vst v63  }
0x6e: {  	v37 =	vld [tilespmem:$0x2090];
	_ =	sdelay $0x4  }
0x6f: {  	v62 =	vshll.u32 v37, $0x2  }
0x70: {  	v37 =	vand.u32 $0x7, v37;
	v38 =	vand.u32 $0xFFFFFFE0, v62  }
0x71: {  	v37 =	vor.u32 v37, v38  }
0x72: {  	v38 =	vperm.xlane v37, v32;
	_ =	sdelay $0x1  }
0x73: {  	v38 =	vadd.s32 v33, v38;
	_ =	sdelay $0x1  }
0x74: {  	v37 =	vperm.xlane v37, v34  }
0x75: {  	v63 =	vadd.s32 v3, v45  }
0x76: {  	v42 =	vshll.u32 v63, $0x2;
	s19 =	simm.s32 $0x4280;
	v37 =	vadd.s32 v33, v37  }
0x77: {  	v42 =	vand.u32 $0xFFFFFFE0, v42;
	[tilespmem:s19], [sflag:$0x1] =	stream.indirect_vreg.gather [hbm4b:s1+s3], $0x80, v38, vm0, $0xb8;
	[tilespmem:$0x12300] =	vst v63  }
0x78: {  	s24 =	simm.s32 $0x4A80;
	v42 =	vor.u32 v44, v42  }
0x79: {  	v46 =	vperm.xlane v42, v32;
	[tilespmem:s24], [sflag:$0x1] =	stream.indirect_vreg.gather [hbm4b:s6+s3], $0x80, v38, vm0, $0xb8;
	[tilespmem:$0x12300] =	vst v63  }
0x7a: {  	s8 =	simm.s32 $0x5280  }
0x7b: {  	v38 =	vadd.s32 v33, v46;
	[tilespmem:s8], [sflag:$0x1] =	stream.indirect_vreg.gather [hbm4b:s1+s3], $0x80, v37, vm0, $0xb8;
	[tilespmem:$0x12300] =	vst v63  }
0x7c: {  	s9 =	simm.s32 $0x5A80  }
0x7d: {  	v47 =	vperm.xlane v42, v34;
	[tilespmem:s9], [sflag:$0x1] =	stream.indirect_vreg.gather [hbm4b:s6+s3], $0x80, v37, vm0, $0xb8;
	[tilespmem:$0x12300] =	vst v63  }
0x7e: {  	v48 =	vadd.s32 v3, v43;
	[tilespmem:$0x2100] =	vst v63  }
0x7f: {  	v37 =	vadd.s32 v33, v47;
	[tilespmem:$0x2110] =	vst v48  }
0x80: {  	[tilespmem:s28], [sflag:$0x2] =	stream.indirect_vreg.gather [hbm4b:s1+s3], $0x80, v38, vm0, $0xb8;
	[tilespmem:$0x12300] =	vst v63  }
0x81: {  	s13 =	simm.s32 $0x6A80  }
0x82: {  	[tilespmem:s13], [sflag:$0x2] =	stream.indirect_vreg.gather [hbm4b:s6+s3], $0x80, v38, vm0, $0xb8;
	[tilespmem:$0x12300] =	vst v63  }
0x83: {  	s19 =	simm.s32 $0x7280  }
0x84: {  	[tilespmem:s19], [sflag:$0x2] =	stream.indirect_vreg.gather [hbm4b:s1+s3], $0x80, v37, vm0, $0xb8;
	[tilespmem:$0x12300] =	vst v63  }
0x85: {  	s24 =	simm.s32 $0x7A80  }
0x86: {  	[tilespmem:s24], [sflag:$0x2] =	stream.indirect_vreg.gather [hbm4b:s6+s3], $0x80, v37, vm0, $0xb8;
	[tilespmem:$0x12300] =	vst v63  }
0x87: {  	v37 =	vld [tilespmem:$0x2110];
	_ =	sdelay $0x4  }
0x88: {  	v49 =	vshll.u32 v37, $0x2  }
0x89: {  	v37 =	vand.u32 $0x7, v37;
	v38 =	vand.u32 $0xFFFFFFE0, v49  }
0x8a: {  	v37 =	vor.u32 v37, v38  }
0x8b: {  	v38 =	vperm.xlane v37, v32;
	_ =	sdelay $0x1  }
0x8c: {  	v38 =	vadd.s32 v33, v38;
	_ =	sdelay $0x1  }
0x8d: {  	v37 =	vperm.xlane v37, v34  }
0x8e: {  	v50 =	vadd.s32 v4, v45  }
0x8f: {  	v51 =	vshll.u32 v50, $0x2;
	s28 =	simm.s32 $0x8280;
	v37 =	vadd.s32 v33, v37  }
0x90: {  	v42 =	vand.u32 $0xFFFFFFE0, v51;
	[tilespmem:s28], [sflag:$0x2] =	stream.indirect_vreg.gather [hbm4b:s1+s3], $0x80, v38, vm0, $0xb8;
	[tilespmem:$0x12300] =	vst v63  }
0x91: {  	v42 =	vor.u32 v44, v42  }
0x92: {  	v52 =	vperm.xlane v42, v32;
	[tilespmem:s14], [sflag:$0x2] =	stream.indirect_vreg.gather [hbm4b:s6+s3], $0x80, v38, vm0, $0xb8;
	[tilespmem:$0x12300] =	vst v63  }
0x93: {  	_ = 	snop  }
0x94: {  	v38 =	vadd.s32 v33, v52;
	[tilespmem:s15], [sflag:$0x2] =	stream.indirect_vreg.gather [hbm4b:s1+s3], $0x80, v37, vm0, $0xb8;
	[tilespmem:$0x12300] =	vst v63  }
0x95: {  	_ = 	snop  }
0x96: {  	v53 =	vperm.xlane v42, v34;
	[tilespmem:s16], [sflag:$0x2] =	stream.indirect_vreg.gather [hbm4b:s6+s3], $0x80, v37, vm0, $0xb8;
	[tilespmem:$0x12300] =	vst v63  }
0x97: {  	v54 =	vadd.s32 v4, v43;
	[tilespmem:$0x2180] =	vst v50  }
0x98: {  	v37 =	vadd.s32 v33, v53;
	[tilespmem:$0x2190] =	vst v54  }
0x99: {  	[tilespmem:s12], [sflag:$0x3] =	stream.indirect_vreg.gather [hbm4b:s1+s3], $0x80, v38, vm0, $0xb8;
	[tilespmem:$0x12300] =	vst v63  }
0x9a: {  	_ = 	snop  }
0x9b: {  	[tilespmem:s17], [sflag:$0x3] =	stream.indirect_vreg.gather [hbm4b:s6+s3], $0x80, v38, vm0, $0xb8;
	[tilespmem:$0x12300] =	vst v63  }
0x9c: {  	_ = 	snop  }
0x9d: {  	[tilespmem:s18], [sflag:$0x3] =	stream.indirect_vreg.gather [hbm4b:s1+s3], $0x80, v37, vm0, $0xb8;
	[tilespmem:$0x12300] =	vst v63  }
0x9e: {  	_ = 	snop  }
0x9f: {  	[tilespmem:s4], [sflag:$0x3] =	stream.indirect_vreg.gather [hbm4b:s6+s3], $0x80, v37, vm0, $0xb8;
	[tilespmem:$0x12300] =	vst v63  }
0xa0: {  	v37 =	vld [tilespmem:$0x2190];
	_ =	sdelay $0x4  }
0xa1: {  	v55 =	vshll.u32 v37, $0x2  }
0xa2: {  	v37 =	vand.u32 $0x7, v37;
	v38 =	vand.u32 $0xFFFFFFE0, v55  }
0xa3: {  	v37 =	vor.u32 v37, v38  }
0xa4: {  	v38 =	vperm.xlane v37, v32;
	_ =	sdelay $0x1  }
0xa5: {  	v38 =	vadd.s32 v33, v38;
	_ =	sdelay $0x1  }
0xa6: {  	v37 =	vperm.xlane v37, v34  }
0xa7: {  	v56 =	vadd.s32 v5, v45  }
0xa8: {  	v57 =	vshll.u32 v56, $0x2;
	v37 =	vadd.s32 v33, v37  }
0xa9: {  	v42 =	vand.u32 $0xFFFFFFE0, v57;
	[tilespmem:s11], [sflag:$0x3] =	stream.indirect_vreg.gather [hbm4b:s1+s3], $0x80, v38, vm0, $0xb8;
	[tilespmem:$0x12300] =	vst v63  }
0xaa: {  	v42 =	vor.u32 v44, v42  }
0xab: {  	v58 =	vperm.xlane v42, v32;
	[tilespmem:s20], [sflag:$0x3] =	stream.indirect_vreg.gather [hbm4b:s6+s3], $0x80, v38, vm0, $0xb8;
	[tilespmem:$0x12300] =	vst v63  }
0xac: {  	_ = 	snop  }
0xad: {  	v38 =	vadd.s32 v33, v58;
	[tilespmem:s21], [sflag:$0x3] =	stream.indirect_vreg.gather [hbm4b:s1+s3], $0x80, v37, vm0, $0xb8;
	[tilespmem:$0x12300] =	vst v63  }
0xae: {  	_ = 	snop  }
0xaf: {  	v59 =	vperm.xlane v42, v34;
	[tilespmem:s22], [sflag:$0x3] =	stream.indirect_vreg.gather [hbm4b:s6+s3], $0x80, v37, vm0, $0xb8;
	[tilespmem:$0x12300] =	vst v63  }
0xb0: {  	v60 =	vadd.s32 v5, v43;
	[tilespmem:$0x2200] =	vst v56  }
0xb1: {  	v37 =	vadd.s32 v33, v59;
	[tilespmem:$0x2210] =	vst v60  }
0xb2: {  	[tilespmem:s25], [sflag:$0x4] =	stream.indirect_vreg.gather [hbm4b:s1+s3], $0x80, v38, vm0, $0xb8;
	[tilespmem:$0x12300] =	vst v63  }
0xb3: {  	_ = 	snop  }
0xb4: {  	[tilespmem:s26], [sflag:$0x4] =	stream.indirect_vreg.gather [hbm4b:s6+s3], $0x80, v38, vm0, $0xb8;
	[tilespmem:$0x12300] =	vst v63  }
0xb5: {  	_ = 	snop  }
0xb6: {  	[tilespmem:s29], [sflag:$0x4] =	stream.indirect_vreg.gather [hbm4b:s1+s3], $0x80, v37, vm0, $0xb8;
	[tilespmem:$0x12300] =	vst v63  }
0xb7: {  	_ = 	snop  }
0xb8: {  	[tilespmem:s2], [sflag:$0x4] =	stream.indirect_vreg.gather [hbm4b:s6+s3], $0x80, v37, vm0, $0xb8;
	[tilespmem:$0x12300] =	vst v63  }
0xb9: {  	v37 =	vld [tilespmem:$0x2210];
	_ =	sdelay $0x4  }
0xba: {  	v61 =	vshll.u32 v37, $0x2  }
0xbb: {  	v37 =	vand.u32 $0x7, v37;
	v38 =	vand.u32 $0xFFFFFFE0, v61  }
0xbc: {  	v37 =	vor.u32 v37, v38  }
0xbd: {  	v38 =	vperm.xlane v37, v32;
	_ =	sdelay $0x1  }
0xbe: {  	v38 =	vadd.s32 v33, v38;
	_ =	sdelay $0x1  }
0xbf: {  	v37 =	vperm.xlane v37, v34;
	_ =	sdelay $0x1  }
0xc0: {  	v37 =	vadd.s32 v33, v37  }
0xc1: {  	[tilespmem:s31], [sflag:$0x4] =	stream.indirect_vreg.gather [hbm4b:s1+s3], $0x80, v38, vm0, $0xb8;
	[tilespmem:$0x12300] =	vst v63  }
0xc2: {  	_ = 	snop  }
0xc3: {  	v62 =	vmov s3;
	[tilespmem:s30], [sflag:$0x4] =	stream.indirect_vreg.gather [hbm4b:s6+s3], $0x80, v38, vm0, $0xb8;
	[tilespmem:$0x12300] =	vst v63  }
0xc4: {  	_ = 	snop  }
0xc5: {  	[tilespmem:s0], [sflag:$0x4] =	stream.indirect_vreg.gather [hbm4b:s1+s3], $0x80, v37, vm0, $0xb8;
	[tilespmem:$0x12300] =	vst v63  }
0xc6: {  	s24 =	simm.s32 $0x1  }
0xc7: {  	[tilespmem:s5], [sflag:$0x4] =	stream.indirect_vreg.gather [hbm4b:s6+s3], $0x80, v37, vm0, $0xb8;
	[tilespmem:$0x12300] =	vst v63  }
0xc8: {  	v63 =	vmov s24;
	v37 =	vld.idx.msk [tilespmem:v62+s10+$0x0], $0xffff;
	_ =	sdelay $0x3  }
0xc9: {  	vm4 =	vlt.u32 v0, s3;
	vm7 =	vlt.u32 v1, s3;
	v47 =	vimm.s32 $0x1  }
0xca: {  	v48 =	vimm.s32 $0x1;
	s25 =	simm.s32 $0x2;
	v46 =	vld.idx.msk [tilespmem:v63+s10+$0x0], $0xffff;
	vm5 =	veq.s32 v39, v37;
	vm6 =	veq.s32 v40, v37  }
.LBB2_2:
0xcb: {  	v37 =	vmov s25;
	p0 =	sne.s32 s25, $0x3F;
	vm4 =	vmand vm4, vm5;
	vm5 =	vmand vm7, vm6;
	s26 =	smov.u32 s25;
	s25 =	sadd.s32 $0x1, s25  }
.Ltmp0:
0xcc: {  	v47 =	vsel vm4, $0x0, v47;
	v48 =	vsel vm5, $0x0, v48;
	(pc) =	sbr.rel @p0 .LBB2_2-.Ltmp0, $3  }
0xcd: {  	_ =	sdelay $0x1  }
0xce: {  	vm4 =	vlt.u32 v0, s24  }
0xcf: {  	vm7 =	vlt.u32 v1, s24;
	s24 =	smov.u32 s26;
	vm5 =	veq.s32 v39, v46;
	vm6 =	veq.s32 v40, v46;
	v46 =	vld.idx.msk [tilespmem:v37+s10+$0x0], $0xffff  }
0xd0: {  	v37 =	vshll.u32 v39, $0x3  }
0xd1: {  	v38 =	vand.u32 $0x7F, v39;
	v63 =	vshll.u32 v40, $0x3;
	v49 =	vadd.s32 v6, v45  }
0xd2: {  	v41 =	vand.u32 $0x7F, v40;
	v37 =	vand.u32 $0xC00, v37;
	v50 =	vshll.u32 v49, $0x2  }
0xd3: {  	v37 =	vor.u32 v37, v38;
	v38 =	vand.u32 $0xC00, v63;
	v53 =	vand.u32 $0xFFFFFFE0, v50  }
0xd4: {  	v42 =	vor.u32 v35, v37;
	v52 =	vor.u32 v38, v41;
	v50 =	vor.u32 v44, v53  }
0xd5: {  	s9 =	simm.s32 $0x1;
	v41 =	vor.u32 v36, v52;
	v54 =	vperm.xlane v50, v32  }
0xd6: {  	_ =	swait.ge [sflag:s9], $0x4000  }
0xd7: {  	[sflag:s9] =	ssyncset.done $0x0;
	v51 =	vadd.s32 v33, v54  }
0xd8: {  	s19 =	simm.s32 $0x2280;
	[sflag:s9] =	ssyncadd.s32 $0xFFFFC000  }
0xd9: {  	v50 =	vperm.xlane v50, v34;
	v37 =	vld.idx.msk [tilespmem:v42+s19+$0x0], $0xffff  }
0xda: {  	v55 =	vadd.s32 v6, v43;
	v38 =	vld.idx.msk [tilespmem:v41+s19+$0x0], $0xffff;
	[tilespmem:$0x2080] =	vst v49  }
0xdb: {  	v56 =	vadd.s32 v33, v50;
	[tilespmem:$0x2090] =	vst v55  }
0xdc: {  	[tilespmem:s19], [sflag:$0x1] =	stream.indirect_vreg.gather [hbm4b:s1+s3], $0x80, v51, vm0, $0xb8;
	[tilespmem:$0x12300] =	vst v63  }
0xdd: {  	s0 =	simm.s32 $0x2A80  }
0xde: {  	[tilespmem:s0], [sflag:$0x1] =	stream.indirect_vreg.gather [hbm4b:s6+s3], $0x80, v51, vm0, $0xb8;
	[tilespmem:$0x12300] =	vst v63  }
0xdf: {  	s17 =	simm.s32 $0x3280  }
0xe0: {  	[tilespmem:s17], [sflag:$0x1] =	stream.indirect_vreg.gather [hbm4b:s1+s3], $0x80, v56, vm0, $0xb8;
	[tilespmem:$0x12300] =	vst v63  }
0xe1: {  	s18 =	simm.s32 $0x3A80  }
0xe2: {  	[tilespmem:s18], [sflag:$0x1] =	stream.indirect_vreg.gather [hbm4b:s6+s3], $0x80, v56, vm0, $0xb8;
	[tilespmem:$0x12300] =	vst v63  }
0xe3: {  	v49 =	vld [tilespmem:$0x2090];
	_ =	sdelay $0x4  }
0xe4: {  	v57 =	vshll.u32 v49, $0x2  }
0xe5: {  	v49 =	vand.u32 $0x7, v49;
	v50 =	vand.u32 $0xFFFFFFE0, v57  }
0xe6: {  	v49 =	vor.u32 v49, v50  }
0xe7: {  	v50 =	vperm.xlane v49, v32;
	_ =	sdelay $0x1  }
0xe8: {  	v50 =	vadd.s32 v33, v50;
	_ =	sdelay $0x1  }
0xe9: {  	v49 =	vperm.xlane v49, v34;
	_ =	sdelay $0x1  }
0xea: {  	s20 =	simm.s32 $0x4280;
	v49 =	vadd.s32 v33, v49  }
0xeb: {  	[tilespmem:s20], [sflag:$0x1] =	stream.indirect_vreg.gather [hbm4b:s1+s3], $0x80, v50, vm0, $0xb8;
	[tilespmem:$0x12300] =	vst v63  }
0xec: {  	s21 =	simm.s32 $0x4A80  }
0xed: {  	[tilespmem:s21], [sflag:$0x1] =	stream.indirect_vreg.gather [hbm4b:s6+s3], $0x80, v50, vm0, $0xb8;
	[tilespmem:$0x12300] =	vst v63  }
0xee: {  	s22 =	simm.s32 $0x5280  }
0xef: {  	v58 =	vadd.s32 v9, v45;
	[tilespmem:s22], [sflag:$0x1] =	stream.indirect_vreg.gather [hbm4b:s1+s3], $0x80, v49, vm0, $0xb8;
	[tilespmem:$0x12300] =	vst v63  }
0xf0: {  	s25 =	simm.s32 $0x5A80;
	s7 =	simm.s32 $0x2;
	v59 =	vshll.u32 v58, $0x2  }
0xf1: {  	[tilespmem:s25], [sflag:$0x1] =	stream.indirect_vreg.gather [hbm4b:s6+s3], $0x80, v49, vm0, $0xb8;
	v49 =	vand.u32 $0xFFFFFFE0, v59;
	[tilespmem:$0x12300] =	vst v63  }
0xf2: {  	_ =	swait.ge [sflag:s7], $0x4000;
	v49 =	vor.u32 v44, v49  }
0xf3: {  	[sflag:s7] =	ssyncset.done $0x0;
	v60 =	vperm.xlane v49, v32  }
0xf4: {  	s28 =	simm.s32 $0x6280;
	[sflag:s7] =	ssyncadd.s32 $0xFFFFC000  }
0xf5: {  	v52 =	vld.idx.msk [tilespmem:v42+s28+$0x0], $0xffff;
	v51 =	vadd.s32 v33, v60  }
0xf6: {  	v53 =	vld.idx.msk [tilespmem:v41+s28+$0x0], $0xffff  }
0xf7: {  	v49 =	vperm.xlane v49, v34;
	v54 =	vld.idx.msk [tilespmem:v7+s3+$0x0], $0xffff  }
0xf8: {  	v61 =	vadd.s32 v9, v43;
	v55 =	vld.idx.msk [tilespmem:v8+s3+$0x0], $0xffff;
	[tilespmem:$0x2100] =	vst v58  }
0xf9: {  	[tilespmem:$0x2110] =	vst v61;
	v49 =	vadd.s32 v33, v49  }
0xfa: {  	[tilespmem:s28], [sflag:$0x2] =	stream.indirect_vreg.gather [hbm4b:s1+s3], $0x80, v51, vm0, $0xb8;
	[tilespmem:$0x12300] =	vst v63  }
0xfb: {  	s26 =	simm.s32 $0x6A80  }
0xfc: {  	[tilespmem:s26], [sflag:$0x2] =	stream.indirect_vreg.gather [hbm4b:s6+s3], $0x80, v51, vm0, $0xb8;
	[tilespmem:$0x12300] =	vst v63  }
0xfd: {  	s2 =	simm.s32 $0x7280  }
0xfe: {  	[tilespmem:s2], [sflag:$0x2] =	stream.indirect_vreg.gather [hbm4b:s1+s3], $0x80, v49, vm0, $0xb8;
	[tilespmem:$0x12300] =	vst v63  }
0xff: {  	s4 =	simm.s32 $0x7A80  }
0x100: {  	[tilespmem:s4], [sflag:$0x2] =	stream.indirect_vreg.gather [hbm4b:s6+s3], $0x80, v49, vm0, $0xb8;
	[tilespmem:$0x12300] =	vst v63  }
0x101: {  	v49 =	vld [tilespmem:$0x2110];
	_ =	sdelay $0x4  }
0x102: {  	v62 =	vshll.u32 v49, $0x2  }
0x103: {  	v49 =	vand.u32 $0x7, v49;
	v50 =	vand.u32 $0xFFFFFFE0, v62  }
0x104: {  	v49 =	vor.u32 v49, v50  }
0x105: {  	v50 =	vperm.xlane v49, v32;
	_ =	sdelay $0x1  }
0x106: {  	v50 =	vadd.s32 v33, v50;
	_ =	sdelay $0x1  }
0x107: {  	v49 =	vperm.xlane v49, v34;
	_ =	sdelay $0x1  }
0x108: {  	s5 =	simm.s32 $0x8280;
	v49 =	vadd.s32 v33, v49  }
0x109: {  	[tilespmem:s5], [sflag:$0x2] =	stream.indirect_vreg.gather [hbm4b:s1+s3], $0x80, v50, vm0, $0xb8;
	[tilespmem:$0x12300] =	vst v63  }
0x10a: {  	s14 =	simm.s32 $0x8A80  }
0x10b: {  	[tilespmem:s14], [sflag:$0x2] =	stream.indirect_vreg.gather [hbm4b:s6+s3], $0x80, v50, vm0, $0xb8;
	[tilespmem:$0x12300] =	vst v63  }
0x10c: {  	s15 =	simm.s32 $0x9280  }
0x10d: {  	v63 =	vadd.s32 v12, v45;
	[tilespmem:s15], [sflag:$0x2] =	stream.indirect_vreg.gather [hbm4b:s1+s3], $0x80, v49, vm0, $0xb8;
	[tilespmem:$0x12300] =	vst v63  }
0x10e: {  	s16 =	simm.s32 $0x9A80;
	s13 =	simm.s32 $0x3;
	v59 =	vshll.u32 v63, $0x2  }
0x10f: {  	[tilespmem:s16], [sflag:$0x2] =	stream.indirect_vreg.gather [hbm4b:s6+s3], $0x80, v49, vm0, $0xb8;
	v49 =	vand.u32 $0xFFFFFFE0, v59;
	[tilespmem:$0x12300] =	vst v63  }
0x110: {  	_ =	swait.ge [sflag:s13], $0x4000;
	v49 =	vor.u32 v44, v49  }
0x111: {  	[sflag:s13] =	ssyncset.done $0x0;
	v60 =	vperm.xlane v49, v32  }
0x112: {  	s12 =	simm.s32 $0xA280;
	[sflag:s13] =	ssyncadd.s32 $0xFFFFC000  }
0x113: {  	v56 =	vld.idx.msk [tilespmem:v42+s12+$0x0], $0xffff;
	v51 =	vadd.s32 v33, v60  }
0x114: {  	v57 =	vld.idx.msk [tilespmem:v41+s12+$0x0], $0xffff  }
0x115: {  	v49 =	vperm.xlane v49, v34;
	v58 =	vld.idx.msk [tilespmem:v10+s3+$0x0], $0xffff  }
0x116: {  	v61 =	vadd.s32 v12, v43;
	v59 =	vld.idx.msk [tilespmem:v11+s3+$0x0], $0xffff;
	[tilespmem:$0x2180] =	vst v63  }
0x117: {  	[tilespmem:$0x2190] =	vst v61;
	v49 =	vadd.s32 v33, v49  }
0x118: {  	[tilespmem:s12], [sflag:$0x3] =	stream.indirect_vreg.gather [hbm4b:s1+s3], $0x80, v51, vm0, $0xb8;
	[tilespmem:$0x12300] =	vst v63  }
0x119: {  	s17 =	simm.s32 $0xAA80  }
0x11a: {  	[tilespmem:s17], [sflag:$0x3] =	stream.indirect_vreg.gather [hbm4b:s6+s3], $0x80, v51, vm0, $0xb8;
	[tilespmem:$0x12300] =	vst v63  }
0x11b: {  	s18 =	simm.s32 $0xB280  }
0x11c: {  	[tilespmem:s18], [sflag:$0x3] =	stream.indirect_vreg.gather [hbm4b:s1+s3], $0x80, v49, vm0, $0xb8;
	[tilespmem:$0x12300] =	vst v63  }
0x11d: {  	s4 =	simm.s32 $0xBA80  }
0x11e: {  	[tilespmem:s4], [sflag:$0x3] =	stream.indirect_vreg.gather [hbm4b:s6+s3], $0x80, v49, vm0, $0xb8;
	[tilespmem:$0x12300] =	vst v63  }
0x11f: {  	v49 =	vld [tilespmem:$0x2190];
	_ =	sdelay $0x4  }
0x120: {  	v62 =	vshll.u32 v49, $0x2  }
0x121: {  	v49 =	vand.u32 $0x7, v49;
	v50 =	vand.u32 $0xFFFFFFE0, v62  }
0x122: {  	v49 =	vor.u32 v49, v50  }
0x123: {  	v50 =	vperm.xlane v49, v32;
	_ =	sdelay $0x1  }
0x124: {  	v50 =	vadd.s32 v33, v50;
	_ =	sdelay $0x1  }
0x125: {  	v49 =	vperm.xlane v49, v34;
	_ =	sdelay $0x1  }
0x126: {  	s11 =	simm.s32 $0xC280;
	v49 =	vadd.s32 v33, v49  }
0x127: {  	[tilespmem:s11], [sflag:$0x3] =	stream.indirect_vreg.gather [hbm4b:s1+s3], $0x80, v50, vm0, $0xb8;
	[tilespmem:$0x12300] =	vst v63  }
0x128: {  	s20 =	simm.s32 $0xCA80  }
0x129: {  	[tilespmem:s20], [sflag:$0x3] =	stream.indirect_vreg.gather [hbm4b:s6+s3], $0x80, v50, vm0, $0xb8;
	[tilespmem:$0x12300] =	vst v63  }
0x12a: {  	s21 =	simm.s32 $0xD280  }
0x12b: {  	v45 =	vadd.s32 v15, v45;
	[tilespmem:s21], [sflag:$0x3] =	stream.indirect_vreg.gather [hbm4b:s1+s3], $0x80, v49, vm0, $0xb8;
	[tilespmem:$0x12300] =	vst v63  }
0x12c: {  	s8 =	simm.s32 $0x4;
	s22 =	simm.s32 $0xDA80;
	v63 =	vshll.u32 v45, $0x2  }
0x12d: {  	[tilespmem:s22], [sflag:$0x3] =	stream.indirect_vreg.gather [hbm4b:s6+s3], $0x80, v49, vm0, $0xb8;
	v49 =	vand.u32 $0xFFFFFFE0, v63;
	[tilespmem:$0x12300] =	vst v63  }
0x12e: {  	_ =	swait.ge [sflag:s8], $0x4000;
	v44 =	vor.u32 v44, v49  }
0x12f: {  	[sflag:s8] =	ssyncset.done $0x0;
	v49 =	vperm.xlane v44, v32  }
0x130: {  	s25 =	simm.s32 $0xE280;
	[sflag:s8] =	ssyncadd.s32 $0xFFFFC000  }
0x131: {  	v50 =	vld.idx.msk [tilespmem:v42+s25+$0x0], $0xffff;
	v49 =	vadd.s32 v33, v49  }
0x132: {  	v51 =	vld.idx.msk [tilespmem:v41+s25+$0x0], $0xffff  }
0x133: {  	v44 =	vperm.xlane v44, v34;
	v60 =	vld.idx.msk [tilespmem:v13+s3+$0x0], $0xffff  }
0x134: {  	v61 =	vld.idx.msk [tilespmem:v14+s3+$0x0], $0xffff;
	[tilespmem:$0x2200] =	vst v45;
	v45 =	vadd.s32 v15, v43  }
0x135: {  	v62 =	vadd.s32 v33, v44;
	[tilespmem:$0x2210] =	vst v45  }
0x136: {  	[tilespmem:s25], [sflag:$0x4] =	stream.indirect_vreg.gather [hbm4b:s1+s3], $0x80, v49, vm0, $0xb8;
	[tilespmem:$0x12300] =	vst v63  }
0x137: {  	s26 =	simm.s32 $0xEA80  }
0x138: {  	[tilespmem:s26], [sflag:$0x4] =	stream.indirect_vreg.gather [hbm4b:s6+s3], $0x80, v49, vm0, $0xb8;
	[tilespmem:$0x12300] =	vst v63  }
0x139: {  	s29 =	simm.s32 $0xF280  }
0x13a: {  	[tilespmem:s29], [sflag:$0x4] =	stream.indirect_vreg.gather [hbm4b:s1+s3], $0x80, v62, vm0, $0xb8;
	[tilespmem:$0x12300] =	vst v63  }
0x13b: {  	s2 =	simm.s32 $0xFA80  }
0x13c: {  	[tilespmem:s2], [sflag:$0x4] =	stream.indirect_vreg.gather [hbm4b:s6+s3], $0x80, v62, vm0, $0xb8;
	[tilespmem:$0x12300] =	vst v63  }
0x13d: {  	v43 =	vld [tilespmem:$0x2210];
	_ =	sdelay $0x4  }
0x13e: {  	v63 =	vshll.u32 v43, $0x2  }
0x13f: {  	v43 =	vand.u32 $0x7, v43;
	v44 =	vand.u32 $0xFFFFFFE0, v63  }
0x140: {  	v43 =	vor.u32 v43, v44  }
0x141: {  	v44 =	vperm.xlane v43, v32  }
0x142: {  	vm8 =	vlt.u32 v0, s24;
	vm9 =	vlt.u32 v1, s24  }
0x143: {  	vm4 =	vmand vm4, vm5;
	v49 =	vcvt.s32.f32 v54;
	v44 =	vadd.s32 v33, v44  }
0x144: {  	vm5 =	vmand vm7, vm6;
	v47 =	vsel vm4, $0x0, v47;
	vm4 =	veq.s32 v39, v46  }
0x145: {  	v54 =	vcvt.s32.f32 v55;
	v45 =	vsub.f32 v52, v49;
	v43 =	vperm.xlane v43, v34  }
0x146: {  	v48 =	vsel vm5, $0x0, v48;
	vm5 =	veq.s32 v40, v46;
	vm4 =	vmand vm8, vm4  }
0x147: {  	s31 =	simm.s32 $0x10280;
	v46 =	vsub.f32 v53, v54;
	v55 =	vmul.f32 $5.000000000e-01, v45;
	v43 =	vadd.s32 v33, v43  }
0x148: {  	vm5 =	vmand vm9, vm5;
	v60 =	vcvt.s32.f32 v60;
	v49 =	vsel vm4, $0x0, v47;
	[tilespmem:s31], [sflag:$0x4] =	stream.indirect_vreg.gather [hbm4b:s1+s3], $0x80, v44, vm0, $0xb8;
	[tilespmem:$0x12300] =	vst v63  }
0x149: {  	s30 =	simm.s32 $0x10A80;
	v62 =	vmul.f32 v55, v45;
	v55 =	vmul.f32 $5.000000000e-01, v46;
	v63 =	vand.u32 $0x7FFFFFFF, v45  }
0x14a: {  	v53 =	vcvt.s32.f32 v58;
	v54 =	vsel vm5, $0x0, v48;
	v52 =	vadd.f32 $-5.000000000e-01, v63;
	[tilespmem:s30], [sflag:$0x4] =	stream.indirect_vreg.gather [hbm4b:s6+s3], $0x80, v44, vm0, $0xb8;
	[tilespmem:$0x12300] =	vst v63  }
0x14b: {  	s0 =	simm.s32 $0x11280;
	v39 =	vcvt.s32.f32 v49;
	vm4 =	vlt.f32 v63, $1.000000000e+00;
	v63 =	vmul.f32 v55, v46  }
0x14c: {  	v58 =	vand.u32 $0x7FFFFFFF, v46;
	v46 =	vsub.f32 v50, v60;
	v40 =	vsel vm4, v62, v52;
	[tilespmem:s0], [sflag:$0x4] =	stream.indirect_vreg.gather [hbm4b:s1+s3], $0x80, v43, vm0, $0xb8;
	[tilespmem:$0x12300] =	vst v63  }
0x14d: {  	s5 =	simm.s32 $0x11A80;
	v52 =	vadd.f32 $-5.000000000e-01, v58;
	v62 =	vmul.f32 v39, v40;
	v44 =	vsub.f32 v56, v53  }
0x14e: {  	vm4 =	vlt.f32 v58, $1.000000000e+00;
	v40 =	vcvt.s32.f32 v54;
	v56 =	vcvt.s32.f32 v59;
	[tilespmem:s5], [sflag:$0x4] =	stream.indirect_vreg.gather [hbm4b:s6+s3], $0x80, v43, vm0, $0xb8;
	[tilespmem:$0x12300] =	vst v63  }
0x14f: {  	v55 =	vsel vm4, v63, v52;
	v53 =	vadd.f32 $0.0e+00, v62;
	v54 =	vmul.f32 $5.000000000e-01, v44;
	_ =	swait.ge [sflag:s9], $0x4000  }
0x150: {  	v58 =	vand.u32 $0x7FFFFFFF, v44;
	v45 =	vsub.f32 v57, v56;
	v57 =	vcvt.s32.f32 v61;
	[sflag:s9] =	ssyncset.done $0x0  }
0x151: {  	v61 =	vand.u32 $0x7FFFFFFF, v46;
	v59 =	vadd.f32 $-5.000000000e-01, v58;
	v43 =	vmul.f32 v40, v55;
	[sflag:s9] =	ssyncadd.s32 $0xFFFFC000  }
0x152: {  	v44 =	vmul.f32 v54, v44;
	v62 =	vmul.f32 $5.000000000e-01, v45;
	v63 =	vand.u32 $0x7FFFFFFF, v45;
	v47 =	vld.idx.msk [tilespmem:v42+s19+$0x0], $0xffff  }
0x153: {  	vm4 =	vlt.f32 v58, $1.000000000e+00;
	v51 =	vsub.f32 v51, v57;
	v60 =	vadd.f32 $-5.000000000e-01, v63;
	v49 =	vld.idx.msk [tilespmem:v41+s19+$0x0], $0xffff  }
0x154: {  	v43 =	vadd.f32 v43, v53;
	v44 =	vsel vm4, v44, v59;
	v58 =	vmul.f32 v62, v45;
	v53 =	vld.idx.msk [tilespmem:v16+s3+$0x0], $0xffff  }
0x155: {  	v59 =	vmul.f32 $5.000000000e-01, v46;
	vm4 =	vlt.f32 v63, $1.000000000e+00;
	v44 =	vmul.f32 v39, v44;
	v48 =	vld.idx.msk [tilespmem:v17+s3+$0x0], $0xffff;
	_ =	swait.ge [sflag:s7], $0x4000  }
0x156: {  	v62 =	vadd.f32 $-5.000000000e-01, v61;
	v63 =	vmul.f32 $5.000000000e-01, v51;
	v56 =	vand.u32 $0x7FFFFFFF, v51;
	[sflag:s7] =	ssyncset.done $0x0  }
0x157: {  	v45 =	vmul.f32 v59, v46;
	v43 =	vadd.f32 v44, v43;
	v44 =	vsel vm4, v58, v60;
	[sflag:s7] =	ssyncadd.s32 $0xFFFFC000  }
0x158: {  	v50 =	vmul.f32 v63, v51;
	vm4 =	vlt.f32 v61, $1.000000000e+00;
	v44 =	vmul.f32 v40, v44;
	v57 =	vld.idx.msk [tilespmem:v18+s3+$0x0], $0xffff  }
0x159: {  	v58 =	vadd.f32 $-5.000000000e-01, v56;
	v45 =	vsel vm4, v45, v62;
	vm4 =	vlt.f32 v56, $1.000000000e+00;
	v62 =	vld.idx.msk [tilespmem:v19+s3+$0x0], $0xffff  }
0x15a: {  	v59 =	vmul.f32 v39, v45;
	v60 =	vld.idx.msk [tilespmem:v42+s28+$0x0], $0xffff;
	v43 =	vadd.f32 v44, v43;
	v53 =	vcvt.s32.f32 v53  }
0x15b: {  	v50 =	vsel vm4, v50, v58;
	v52 =	vld.idx.msk [tilespmem:v41+s28+$0x0], $0xffff;
	v48 =	vcvt.s32.f32 v48  }
0x15c: {  	_ =	swait.ge [sflag:s13], $0x4000;
	v61 =	vmul.f32 v40, v50;
	v43 =	vadd.f32 v59, v43;
	v47 =	vsub.f32 v47, v53  }
0x15d: {  	[sflag:s13] =	ssyncset.done $0x0;
	v54 =	vsub.f32 v49, v48;
	v46 =	vcvt.s32.f32 v57  }
0x15e: {  	[sflag:s13] =	ssyncadd.s32 $0xFFFFC000;
	v43 =	vadd.f32 v61, v43;
	v59 =	vcvt.s32.f32 v62;
	v55 =	vand.u32 $0x7FFFFFFF, v47  }
0x15f: {  	v51 =	vld.idx.msk [tilespmem:v42+s12+$0x0], $0xffff;
	v63 =	vmul.f32 $5.000000000e-01, v47;
	v57 =	vand.u32 $0x7FFFFFFF, v54;
	v56 =	vadd.f32 $-5.000000000e-01, v55  }
0x160: {  	v58 =	vmul.f32 $5.000000000e-01, v54;
	v45 =	vsub.f32 v60, v46;
	v49 =	vsub.f32 v52, v59;
	v52 =	vld.idx.msk [tilespmem:v41+s12+$0x0], $0xffff  }
0x161: {  	vm4 =	vlt.f32 v55, $1.000000000e+00;
	v61 =	vadd.f32 $-5.000000000e-01, v57;
	v47 =	vmul.f32 v63, v47;
	v63 =	vld.idx.msk [tilespmem:v20+s3+$0x0], $0xffff  }
0x162: {  	v44 =	vmul.f32 v58, v54;
	v58 =	vld.idx.msk [tilespmem:v21+s3+$0x0], $0xffff;
	_ =	swait.ge [sflag:s8], $0x4000;
	v60 =	vmul.f32 $5.000000000e-01, v45;
	v62 =	vand.u32 $0x7FFFFFFF, v45  }
0x163: {  	v59 =	vmul.f32 $5.000000000e-01, v49;
	[sflag:s8] =	ssyncset.done $0x0;
	v47 =	vsel vm4, v47, v56;
	v56 =	vadd.f32 $-5.000000000e-01, v62  }
0x164: {  	vm4 =	vlt.f32 v57, $1.000000000e+00;
	vm5 =	vlt.f32 v62, $1.000000000e+00;
	[sflag:s8] =	ssyncadd.s32 $0xFFFFC000;
	v45 =	vmul.f32 v60, v45  }
0x165: {  	v57 =	vmul.f32 v39, v47;
	v44 =	vsel vm4, v44, v61;
	v60 =	vand.u32 $0x7FFFFFFF, v49;
	v53 =	vld.idx.msk [tilespmem:v23+s3+$0x0], $0xffff  }
0x166: {  	v48 =	vmul.f32 v59, v49;
	v44 =	vmul.f32 v40, v44;
	v61 =	vadd.f32 $-5.000000000e-01, v60  }
0x167: {  	v42 =	vld.idx.msk [tilespmem:v42+s25+$0x0], $0xffff;
	v45 =	vsel vm5, v45, v56;
	v43 =	vadd.f32 v57, v43;
	v62 =	vcvt.s32.f32 v63  }
0x168: {  	vm4 =	vlt.f32 v60, $1.000000000e+00;
	v56 =	vcvt.s32.f32 v58;
	v57 =	vld.idx.msk [tilespmem:v24+s3+$0x0], $0xffff;
	v63 =	vmul.f32 v39, v45  }
0x169: {  	v46 =	vsel vm4, v48, v61;
	v43 =	vadd.f32 v44, v43;
	v54 =	vsub.f32 v51, v62  }
0x16a: {  	v41 =	vld.idx.msk [tilespmem:v41+s25+$0x0], $0xffff;
	v55 =	vmul.f32 v40, v46;
	v59 =	vsub.f32 v52, v56;
	v45 =	vcvt.s32.f32 v53  }
0x16b: {  	v43 =	vadd.f32 v63, v43;
	v58 =	vmul.f32 $5.000000000e-01, v54;
	v60 =	vand.u32 $0x7FFFFFFF, v54  }
0x16c: {  	v62 =	vand.u32 $0x7FFFFFFF, v59;
	v63 =	vmul.f32 $5.000000000e-01, v59;
	v61 =	vadd.f32 $-5.000000000e-01, v60  }
0x16d: {  	vm4 =	vlt.f32 v60, $1.000000000e+00;
	v47 =	vcvt.s32.f32 v57;
	v42 =	vsub.f32 v42, v45  }
0x16e: {  	v53 =	vadd.f32 $-5.000000000e-01, v62;
	v43 =	vadd.f32 v55, v43;
	v48 =	vmul.f32 v58, v54  }
0x16f: {  	v44 =	vmul.f32 v63, v59;
	v41 =	vsub.f32 v41, v47;
	v54 =	vmul.f32 $5.000000000e-01, v42  }
0x170: {  	v55 =	vand.u32 $0x7FFFFFFF, v42;
	v48 =	vsel vm4, v48, v61;
	vm4 =	vlt.f32 v62, $1.000000000e+00  }
0x171: {  	v56 =	vadd.f32 $-5.000000000e-01, v55;
	v52 =	vmul.f32 v39, v48;
	v44 =	vsel vm4, v44, v53  }
0x172: {  	v42 =	vmul.f32 v54, v42;
	v57 =	vmul.f32 $5.000000000e-01, v41;
	v58 =	vand.u32 $0x7FFFFFFF, v41  }
0x173: {  	vm4 =	vlt.f32 v55, $1.000000000e+00;
	v44 =	vmul.f32 v40, v44;
	v43 =	vadd.f32 v52, v43  }
0x174: {  	v59 =	vadd.f32 $-5.000000000e-01, v58;
	v42 =	vsel vm4, v42, v56;
	v41 =	vmul.f32 v57, v41  }
0x175: {  	vm4 =	vlt.f32 v58, $1.000000000e+00;
	v42 =	vmul.f32 v39, v42;
	v43 =	vadd.f32 v44, v43  }
0x176: {  	v37 =	vmul.f32 v39, v37;
	v38 =	vmul.f32 v40, v38;
	v41 =	vsel vm4, v41, v59  }
0x177: {  	v41 =	vmul.f32 v40, v41;
	v42 =	vadd.f32 v42, v43  }
0x178: {  	v37 =	vadd.f32 v38, v37  }
0x179: {  	v60 =	vadd.f32 v41, v42  }
0x17a: {  	(xrf2) =	vadd.scan.msk.f32 $0xffff, v37;
	v61 =	vadd.f32 v40, v39  }
0x17b: {  	(xrf2) =	vadd.scan.msk.f32 $0xffff, v60  }
0x17c: {  	(xrf2) =	vadd.scan.msk.f32 $0xffff, v61;
	_ =	sdelay $0x7  }
0x17d: {  	v62, _, _ =	vpop (xrf2)  }
0x17e: {  	v38, _, _ =	vpop (xrf2)  }
0x17f: {  	v63, _, _ =	vpop (xrf2)  }
0x180: {  	v39 =	vbroadcast v63, $0xF  }
0x181: {  	v38 =	vbroadcast v38, $0xF  }
0x182: {  	v37 =	vbroadcast v62, $0xF;
	v39 =	vnsel vm1, $0x0, v39  }
0x183: {  	v38 =	vsel vm2, v39, v38  }
0x184: {  	v37 =	vsel vm3, v38, v37  }
0x185: {  	s9 =	simm.s32 $0x12280;
	s7 =	rddreg [dreg:$0x4];
	[tilespmem:$0x12280] =	vst v37  }
0x186: {  	[hbm4b:s7+s3] =	stream.linear.scatter [tilespmem:s9], [sflag:$0x5], $0x80, $0x38;
	[tilespmem:$0x12300] =	vst v63  }
0x187: {  	s9 =	simm.s32 $0x5  }
0x188: {  	_ =	swait.ge [sflag:s9], $0x80  }
0x189: {  	s23 =	sadd.s32 $0x1, s23;
	s24 =	rddreg [dreg:$0x5]  }
0x18a: {  	p0 =	sne.s32 s23, s24  }
.Ltmp1:
0x18b: {  	_ = 	snop;
	(pc) =	sbr.rel @p0 .LBB2_1-.Ltmp1, $3  }
0x18c: {  	_ =	sdelay $0x1  }
0x18d: {  	s13 =	simm.s32 $0x3A80;
	[sflag:s9] =	ssyncset.done $0x0  }
0x18e: {  	s8 =	simm.s32 $0x3280;
	s7 =	simm.s32 $0x2A80;
	[sflag:s9] =	ssyncadd.s32 $0xFFFFFF80  }
0x18f: {  	_ =	sfence.sel $0x180000  }
0x190: {  	[bflag:$0x0] =	sbarrier.arrive $0xFFFF  }
0x191: {  	_ =	strace $0x90000047  }
0x192: {  	s0 =	stileid.u32;
	[bflag:$0x2] =	sbarrier.arrive $0xFFFF  }
0x193: {  	p0 =	sne.s32 s0, $0x0;
	s0 =	rddreg [dreg:$0x2]  }
0x194: {  	s0 =	sadd.s32 @!p0 $0x100000, s0  }
0x195: {  	[sflag:s0] =	ssyncadd.tile.s32 @!p0 $0x1;
	_ =	shalt  }
.Lfunc_end2:
_tile_overlayer_lowered:
.L_overlay_start_2:
0x196: {  	(tag) =	ssettag $0x2  }
0x197: {  	s0 =	rddreg [dreg:$0x0];
	s2 =	stileid.u32  }
0x198: {  	s1 =	rddreg [dreg:$0x1];
	p0 =	sne.s32 s2, $0x0  }
0x199: {  	s3 =	rddreg [dreg:$0x2];
	[bflag:$0x3] =	sbarrier.arrive $0xFFFF;
	s2 =	simm.s32 @!p0 $0x1C05  }
0x19a: {  	[timem:s3], [sflag:s2] =	dma.local @!p0 [hbm:s0], s1  }
0x19b: {  	s0 =	simm.s32 @!p0 $0x5  }
0x19c: {  	_ =	swait.ge @!p0 [sflag:s0], s1  }
0x19d: {  	s1 =	ssub.s32 @!p0 $0x0, s1;
	[sflag:s0] =	ssyncset.done @!p0 $0x0  }
0x19e: {  	[sflag:s0] =	ssyncadd.s32 @!p0 s1  }
0x19f: {  	[bflag:$0x3] =	sbarrier.arrive $0xFFFF  }
0x1a0: {  	_ =	shalt  }

</sc_bundles>
